<compile_context>
chip_gen: v7x
topology: tpu7x:2x2x1
jax: 0.10.2.dev20260603
libtpu: 0.0.44.dev20260713+nightly
codegen_flags: <defaults>
</compile_context>

<pallas_src>
import functools

import jax
import jax.numpy as jnp
from jax import lax
from jax.experimental import pallas as pl
from jax.experimental.pallas import tpu as pltpu
from jax.experimental.pallas import tpu_sc as plsc

NUM_RELS = 100000
EMB_DIM = 128
BATCH = 16384
HALF = BATCH // 2
_ENC_SCALE = 65536.0 / (2.0 * 3.141592653589793)
_DEC_SCALE = (2.0 * 3.141592653589793) / 65536.0


@functools.lru_cache(maxsize=None)
def _make_sc_gather_pack(V, D, B):
    NC, NS = 2, 16
    NW = NC * NS
    half = B // 2
    p_per_w = half // NW
    mesh = plsc.VectorSubcoreMesh(core_axis_name="c", subcore_axis_name="s")

    ch = 128
    nch = p_per_w // ch

    @functools.partial(
        pl.kernel,
        mesh=mesh,
        out_type=jax.ShapeDtypeStruct((half, D), jnp.int32),
        scratch_types=[
            pltpu.VMEM((p_per_w,), jnp.int32),
            pltpu.VMEM((p_per_w,), jnp.int32),
            pltpu.VMEM((p_per_w, D), jnp.float32),
            pltpu.VMEM((p_per_w, D), jnp.float32),
            pltpu.VMEM((p_per_w, D), jnp.int32),
            pltpu.SemaphoreType.DMA,
            pltpu.SemaphoreType.DMA,
        ],
    )
    def gather_k(table_hbm, idx_hbm, out_hbm, idx_lo, idx_hi, rows_lo, rows_hi,
                 packed_v, gsem, wsem):
        wid = lax.axis_index("s") * NC + lax.axis_index("c")
        base = wid * p_per_w
        pltpu.sync_copy(idx_hbm.at[pl.ds(base, p_per_w)], idx_lo)
        pltpu.sync_copy(idx_hbm.at[pl.ds(half + base, p_per_w)], idx_hi)
        gathers = []
        for j in range(nch):
            sl = pl.ds(j * ch, ch)
            g_lo = pltpu.async_copy(table_hbm.at[idx_lo.at[sl]], rows_lo.at[sl],
                                    gsem)
            g_hi = pltpu.async_copy(table_hbm.at[idx_hi.at[sl]], rows_hi.at[sl],
                                    gsem)
            gathers.append((g_lo, g_hi))

        def pack_row(p, _):
            for k in range(D // 16):
                sl = pl.ds(k * 16, 16)
                qa = lax.convert_element_type(
                    rows_lo[p, sl] * _ENC_SCALE, jnp.int32) & 65535
                qb = lax.convert_element_type(
                    rows_hi[p, sl] * _ENC_SCALE, jnp.int32)
                packed_v[p, sl] = qa | (qb << 16)
            return ()

        writes = []
        for j in range(nch):
            g_lo, g_hi = gathers[j]
            g_lo.wait()
            g_hi.wait()
            lax.fori_loop(j * ch, (j + 1) * ch, pack_row, ())
            sl = pl.ds(j * ch, ch)
            writes.append(
                pltpu.async_copy(packed_v.at[sl],
                                 out_hbm.at[pl.ds(base + j * ch, ch)], wsem))
        for w in writes:
            w.wait()

    return gather_k


_SIN_COEFFS = (0.9999998622, -0.1666660773, 8.332732438e-3,
               -1.981669233e-4, 2.708326132e-6, -2.069597016e-8)
_COS_COEFFS = (0.9999999739, -0.4999998513, 4.166646236e-2,
               -1.38877318e-3, 2.476905337e-5, -2.70754507e-7,
               1.724375218e-9)


def _poly(y, coeffs):
    acc = coeffs[-1]
    for cf in coeffs[-2::-1]:
        acc = cf + y * acc
    return acc


def _half_score(head, tail, ph):
    u = ph - jnp.float32(jnp.pi)
    y = u * u
    su = u * _poly(y, _SIN_COEFFS)
    cu = _poly(y, _COS_COEFFS)
    hr = head[:, :EMB_DIM]
    hi = head[:, EMB_DIM:]
    re = hi * su - hr * cu - tail[:, :EMB_DIM]
    im = hr * su + hi * cu + tail[:, EMB_DIM:]
    dist = jnp.sqrt(re * re + im * im)
    blk = dist.shape[0]
    parts = []
    for j in range(blk // EMB_DIM):
        chunk = dist[j * EMB_DIM:(j + 1) * EMB_DIM, :]
        parts.append(jnp.sum(chunk.T, axis=0))
    return -jnp.concatenate(parts, axis=0)


def _score_body(head_lo_ref, tail_lo_ref, head_hi_ref, tail_hi_ref, pk_ref,
                out_lo_ref, out_hi_ref):
    x = pk_ref[...]
    ph_lo = lax.convert_element_type(x & 65535, jnp.float32) * jnp.float32(
        _DEC_SCALE)
    ph_hi = lax.convert_element_type(
        lax.shift_right_logical(x, 16), jnp.float32) * jnp.float32(_DEC_SCALE)
    out_lo_ref[...] = _half_score(head_lo_ref[...], tail_lo_ref[...], ph_lo)
    out_hi_ref[...] = _half_score(head_hi_ref[...], tail_hi_ref[...], ph_hi)


def _tc_score(head_emb, tail_emb, packed):
    blk = 2048
    nblk = HALF // blk
    emb_spec_lo = pl.BlockSpec((blk, 2 * EMB_DIM), lambda i: (i, 0))
    emb_spec_hi = pl.BlockSpec((blk, 2 * EMB_DIM), lambda i, n=nblk: (i + n, 0))
    out_lo, out_hi = pl.pallas_call(
        _score_body,
        grid=(nblk,),
        in_specs=[
            emb_spec_lo,
            emb_spec_lo,
            emb_spec_hi,
            emb_spec_hi,
            pl.BlockSpec((blk, EMB_DIM), lambda i: (i, 0)),
        ],
        out_specs=[
            pl.BlockSpec((blk,), lambda i: (i,)),
            pl.BlockSpec((blk,), lambda i: (i,)),
        ],
        out_shape=[
            jax.ShapeDtypeStruct((HALF,), jnp.float32),
            jax.ShapeDtypeStruct((HALF,), jnp.float32),
        ],
    )(head_emb, tail_emb, head_emb, tail_emb, packed)
    return jnp.concatenate([out_lo, out_hi], axis=0)


def kernel(head_emb, tail_emb, rel_table, rel_idx):
    packed = _make_sc_gather_pack(NUM_RELS, EMB_DIM, BATCH)(
        rel_table, rel_idx.astype(jnp.int32))
    return _tc_score(head_emb, tail_emb, packed)

# --- scband reference (transcript-rebuilt; emitter-appended) ---
"""Pipeline reference for scband-rotat-escorer-721554506440 (READ-ONLY COPY).

The authoritative reference and input builder live on the scoring server;
editing this copy changes nothing except your own understanding.
"""

import jax, jax.numpy as jnp
import numpy as np

NUM_RELS = 100000
EMB_DIM = 128
BATCH = 16384


def setup_inputs(seed: int = 0) -> dict:
    key = jax.random.key(seed)
    k1, k2, k3, k4 = jax.random.split(key, 4)
    head_emb = jax.random.normal(k1, (BATCH, 2 * EMB_DIM), dtype=jnp.float32)
    tail_emb = jax.random.normal(k2, (BATCH, 2 * EMB_DIM), dtype=jnp.float32)
    rel_idx = jax.random.randint(k3, (BATCH,), 0, NUM_RELS, dtype=jnp.int64 if jax.config.jax_enable_x64 else jnp.int32)
    # learned relation phase table, init uniform in [0, 2*pi) as in the torch module
    rel_table = jax.random.uniform(k4, (NUM_RELS, EMB_DIM), dtype=jnp.float32, minval=0.0, maxval=2.0 * np.pi)
    return {"head_emb": head_emb, "tail_emb": tail_emb, "rel_table": rel_table, "rel_idx": rel_idx}


def reference(head_emb, tail_emb, rel_table, rel_idx):
    head_real, head_imag = jnp.split(head_emb, 2, axis=-1)
    tail_real, tail_imag = jnp.split(tail_emb, 2, axis=-1)
    relation_phase = jnp.take(rel_table, rel_idx, axis=0)
    rel_real = jnp.cos(relation_phase)
    rel_imag = jnp.sin(relation_phase)
    re_score = head_real * rel_real - head_imag * rel_imag
    im_score = head_real * rel_imag + head_imag * rel_real
    score = jnp.stack([re_score - tail_real, im_score - tail_imag], axis=0)
    score = jnp.sqrt(jnp.sum(score * score, axis=0))
    return -jnp.sum(score, axis=-1)

if __name__ == "__main__":
    import jax
    _d = setup_inputs()
    print(jax.jit(kernel)(*tuple(_d.values())))

</pallas_src>

<mosaic_0001>
#map = affine_map<(d0, d1) -> (0, 0)>
#map1 = affine_map<(d0, d1) -> (0)>
module attributes {stable_mosaic.version = 14 : i64} {
  func.func @gather_k(%arg0: i32, %arg1: i32, %arg2: memref<100000x128xf32, #tpu.memory_space<hbm>>, %arg3: memref<16384xi32, #tpu.memory_space<hbm>>, %arg4: memref<8192x128xi32, #tpu.memory_space<hbm>>, %arg5: memref<256xi32, #tpu.memory_space<vmem>>, %arg6: memref<256xi32, #tpu.memory_space<vmem>>, %arg7: memref<256x128xf32, #tpu.memory_space<vmem>>, %arg8: memref<256x128xf32, #tpu.memory_space<vmem>>, %arg9: memref<256x128xi32, #tpu.memory_space<vmem>>, %arg10: memref<!tpu.dma_semaphore, #tpu.memory_space<semaphore_mem>>, %arg11: memref<!tpu.dma_semaphore, #tpu.memory_space<semaphore_mem>>) attributes {dimension_semantics = [#tpu.dimension_semantics<core_parallel>, #tpu.dimension_semantics<subcore_parallel>], iteration_bounds = array<i64: 2, 16>, scalar_prefetch = 0 : i64, scratch_operands = 7 : i64, tpu.core_type = #tpu.core_type<sc_vector_subcore>, window_params = [{transform_indices = #map}, {transform_indices = #map1}, {transform_indices = #map}]} {
    %mul3A = arith.constant 2 : i32
    %mul3A_0 = arith.muli %arg1, %mul3A : i32
    %add3A = arith.addi %mul3A_0, %arg0 : i32
    %mul3A_1 = arith.constant 256 : i32
    %mul3A_2 = arith.muli %add3A, %mul3A_1 : i32
    "tpu.region"() ({
      %run_scoped3A = tpu.sem_alloc : memref<!tpu.dma_semaphore, #tpu.memory_space<semaphore_mem>>
      %dma_start3A_120 = tpu.memref_slice %arg3[%mul3A_2] : memref<16384xi32, #tpu.memory_space<hbm>> -> memref<256xi32, #tpu.memory_space<hbm>>
      %dma_start3A_121 = tpu.memref_slice %arg3[%mul3A_2] : memref<16384xi32, #tpu.memory_space<hbm>> -> memref<256xi32, #tpu.memory_space<hbm>>
      tpu.enqueue_dma source(%dma_start3A_121 : memref<256xi32, #tpu.memory_space<hbm>>) target(%arg5 : memref<256xi32, #tpu.memory_space<vmem>>) target_semaphore(%run_scoped3A : memref<!tpu.dma_semaphore, #tpu.memory_space<semaphore_mem>>)
      %dma_wait3A_122 = tpu.memref_slice %arg3[%mul3A_2] : memref<16384xi32, #tpu.memory_space<hbm>> -> memref<256xi32, #tpu.memory_space<hbm>>
      %dma_wait3A_123 = tpu.memref_slice %arg3[%mul3A_2] : memref<16384xi32, #tpu.memory_space<hbm>> -> memref<256xi32, #tpu.memory_space<hbm>>
      tpu.wait_dma2 semaphore(%run_scoped3A : memref<!tpu.dma_semaphore, #tpu.memory_space<semaphore_mem>>) src(%dma_wait3A_123 : memref<256xi32, #tpu.memory_space<hbm>>) dst(%arg5 : memref<256xi32, #tpu.memory_space<vmem>>)
      tpu.yield
    }) : () -> ()
    %add3A_3 = arith.constant 8192 : i32
    %add3A_4 = arith.addi %add3A_3, %mul3A_2 : i32
    "tpu.region"() ({
      %run_scoped3A = tpu.sem_alloc : memref<!tpu.dma_semaphore, #tpu.memory_space<semaphore_mem>>
      %dma_start3A_120 = tpu.memref_slice %arg3[%add3A_4] : memref<16384xi32, #tpu.memory_space<hbm>> -> memref<256xi32, #tpu.memory_space<hbm>>
      %dma_start3A_121 = tpu.memref_slice %arg3[%add3A_4] : memref<16384xi32, #tpu.memory_space<hbm>> -> memref<256xi32, #tpu.memory_space<hbm>>
      tpu.enqueue_dma source(%dma_start3A_121 : memref<256xi32, #tpu.memory_space<hbm>>) target(%arg6 : memref<256xi32, #tpu.memory_space<vmem>>) target_semaphore(%run_scoped3A : memref<!tpu.dma_semaphore, #tpu.memory_space<semaphore_mem>>)
      %dma_wait3A_122 = tpu.memref_slice %arg3[%add3A_4] : memref<16384xi32, #tpu.memory_space<hbm>> -> memref<256xi32, #tpu.memory_space<hbm>>
      %dma_wait3A_123 = tpu.memref_slice %arg3[%add3A_4] : memref<16384xi32, #tpu.memory_space<hbm>> -> memref<256xi32, #tpu.memory_space<hbm>>
      tpu.wait_dma2 semaphore(%run_scoped3A : memref<!tpu.dma_semaphore, #tpu.memory_space<semaphore_mem>>) src(%dma_wait3A_123 : memref<256xi32, #tpu.memory_space<hbm>>) dst(%arg6 : memref<256xi32, #tpu.memory_space<vmem>>)
      tpu.yield
    }) : () -> ()
    %dma_start3A = arith.constant 0 : i32
    %dma_start3A_5 = arith.constant 0 : i32
    %dma_start3A_6 = tpu.memref_slice %arg7[%dma_start3A, %dma_start3A_5] : memref<256x128xf32, #tpu.memory_space<vmem>> -> memref<128x128xf32, #tpu.memory_space<vmem>>
    %dma_start3A_7 = arith.constant 0 : i32
    %dma_start3A_8 = tpu.memref_slice %arg5[%dma_start3A_7] : memref<256xi32, #tpu.memory_space<vmem>> -> memref<128xi32, #tpu.memory_space<vmem>>
    %dma_start3A_9 = arith.constant 0 : i32
    %dma_start3A_10 = arith.constant 0 : i32
    %dma_start3A_11 = tpu.memref_slice %arg2[%dma_start3A_9, %dma_start3A_10] : memref<100000x128xf32, #tpu.memory_space<hbm>> -> memref<100000x128xf32, #tpu.memory_space<hbm>>
    tpu.enqueue_indirect_dma source(%dma_start3A_11 : memref<100000x128xf32, #tpu.memory_space<hbm>>) target(%dma_start3A_6 : memref<128x128xf32, #tpu.memory_space<vmem>>) offsets(%dma_start3A_8 : memref<128xi32, #tpu.memory_space<vmem>>) semaphore(%arg10 : memref<!tpu.dma_semaphore, #tpu.memory_space<semaphore_mem>>)
    %dma_start3A_12 = arith.constant 0 : i32
    %dma_start3A_13 = arith.constant 0 : i32
    %dma_start3A_14 = tpu.memref_slice %arg8[%dma_start3A_12, %dma_start3A_13] : memref<256x128xf32, #tpu.memory_space<vmem>> -> memref<128x128xf32, #tpu.memory_space<vmem>>
    %dma_start3A_15 = arith.constant 0 : i32
    %dma_start3A_16 = tpu.memref_slice %arg6[%dma_start3A_15] : memref<256xi32, #tpu.memory_space<vmem>> -> memref<128xi32, #tpu.memory_space<vmem>>
    %dma_start3A_17 = arith.constant 0 : i32
    %dma_start3A_18 = arith.constant 0 : i32
    %dma_start3A_19 = tpu.memref_slice %arg2[%dma_start3A_17, %dma_start3A_18] : memref<100000x128xf32, #tpu.memory_space<hbm>> -> memref<100000x128xf32, #tpu.memory_space<hbm>>
    tpu.enqueue_indirect_dma source(%dma_start3A_19 : memref<100000x128xf32, #tpu.memory_space<hbm>>) target(%dma_start3A_14 : memref<128x128xf32, #tpu.memory_space<vmem>>) offsets(%dma_start3A_16 : memref<128xi32, #tpu.memory_space<vmem>>) semaphore(%arg10 : memref<!tpu.dma_semaphore, #tpu.memory_space<semaphore_mem>>)
    %dma_start3A_20 = arith.constant 128 : i32
    %dma_start3A_21 = arith.constant 0 : i32
    %dma_start3A_22 = tpu.memref_slice %arg7[%dma_start3A_20, %dma_start3A_21] : memref<256x128xf32, #tpu.memory_space<vmem>> -> memref<128x128xf32, #tpu.memory_space<vmem>>
    %dma_start3A_23 = arith.constant 128 : i32
    %dma_start3A_24 = tpu.memref_slice %arg5[%dma_start3A_23] : memref<256xi32, #tpu.memory_space<vmem>> -> memref<128xi32, #tpu.memory_space<vmem>>
    %dma_start3A_25 = arith.constant 0 : i32
    %dma_start3A_26 = arith.constant 0 : i32
    %dma_start3A_27 = tpu.memref_slice %arg2[%dma_start3A_25, %dma_start3A_26] : memref<100000x128xf32, #tpu.memory_space<hbm>> -> memref<100000x128xf32, #tpu.memory_space<hbm>>
    tpu.enqueue_indirect_dma source(%dma_start3A_27 : memref<100000x128xf32, #tpu.memory_space<hbm>>) target(%dma_start3A_22 : memref<128x128xf32, #tpu.memory_space<vmem>>) offsets(%dma_start3A_24 : memref<128xi32, #tpu.memory_space<vmem>>) semaphore(%arg10 : memref<!tpu.dma_semaphore, #tpu.memory_space<semaphore_mem>>)
    %dma_start3A_28 = arith.constant 128 : i32
    %dma_start3A_29 = arith.constant 0 : i32
    %dma_start3A_30 = tpu.memref_slice %arg8[%dma_start3A_28, %dma_start3A_29] : memref<256x128xf32, #tpu.memory_space<vmem>> -> memref<128x128xf32, #tpu.memory_space<vmem>>
    %dma_start3A_31 = arith.constant 128 : i32
    %dma_start3A_32 = tpu.memref_slice %arg6[%dma_start3A_31] : memref<256xi32, #tpu.memory_space<vmem>> -> memref<128xi32, #tpu.memory_space<vmem>>
    %dma_start3A_33 = arith.constant 0 : i32
    %dma_start3A_34 = arith.constant 0 : i32
    %dma_start3A_35 = tpu.memref_slice %arg2[%dma_start3A_33, %dma_start3A_34] : memref<100000x128xf32, #tpu.memory_space<hbm>> -> memref<100000x128xf32, #tpu.memory_space<hbm>>
    tpu.enqueue_indirect_dma source(%dma_start3A_35 : memref<100000x128xf32, #tpu.memory_space<hbm>>) target(%dma_start3A_30 : memref<128x128xf32, #tpu.memory_space<vmem>>) offsets(%dma_start3A_32 : memref<128xi32, #tpu.memory_space<vmem>>) semaphore(%arg10 : memref<!tpu.dma_semaphore, #tpu.memory_space<semaphore_mem>>)
    %dma_wait3A = arith.constant 0 : i32
    %dma_wait3A_36 = arith.constant 0 : i32
    %dma_wait3A_37 = tpu.memref_slice %arg7[%dma_wait3A, %dma_wait3A_36] : memref<256x128xf32, #tpu.memory_space<vmem>> -> memref<128x128xf32, #tpu.memory_space<vmem>>
    %dma_wait3A_38 = arith.constant 0 : i32
    %dma_wait3A_39 = tpu.memref_slice %arg5[%dma_wait3A_38] : memref<256xi32, #tpu.memory_space<vmem>> -> memref<128xi32, #tpu.memory_space<vmem>>
    %dma_wait3A_40 = arith.constant 0 : i32
    %dma_wait3A_41 = arith.constant 0 : i32
    %dma_wait3A_42 = tpu.memref_slice %arg2[%dma_wait3A_40, %dma_wait3A_41] : memref<100000x128xf32, #tpu.memory_space<hbm>> -> memref<100000x128xf32, #tpu.memory_space<hbm>>
    tpu.wait_indirect_dma semaphore(%arg10 : memref<!tpu.dma_semaphore, #tpu.memory_space<semaphore_mem>>) src(%dma_wait3A_42 : memref<100000x128xf32, #tpu.memory_space<hbm>>) dst(%dma_wait3A_37 : memref<128x128xf32, #tpu.memory_space<vmem>>)
    %dma_wait3A_43 = arith.constant 0 : i32
    %dma_wait3A_44 = arith.constant 0 : i32
    %dma_wait3A_45 = tpu.memref_slice %arg8[%dma_wait3A_43, %dma_wait3A_44] : memref<256x128xf32, #tpu.memory_space<vmem>> -> memref<128x128xf32, #tpu.memory_space<vmem>>
    %dma_wait3A_46 = arith.constant 0 : i32
    %dma_wait3A_47 = tpu.memref_slice %arg6[%dma_wait3A_46] : memref<256xi32, #tpu.memory_space<vmem>> -> memref<128xi32, #tpu.memory_space<vmem>>
    %dma_wait3A_48 = arith.constant 0 : i32
    %dma_wait3A_49 = arith.constant 0 : i32
    %dma_wait3A_50 = tpu.memref_slice %arg2[%dma_wait3A_48, %dma_wait3A_49] : memref<100000x128xf32, #tpu.memory_space<hbm>> -> memref<100000x128xf32, #tpu.memory_space<hbm>>
    tpu.wait_indirect_dma semaphore(%arg10 : memref<!tpu.dma_semaphore, #tpu.memory_space<semaphore_mem>>) src(%dma_wait3A_50 : memref<100000x128xf32, #tpu.memory_space<hbm>>) dst(%dma_wait3A_45 : memref<128x128xf32, #tpu.memory_space<vmem>>)
    %scan3A = arith.constant 0 : i32
    %scan3A_51 = arith.constant 128 : i32
    %scan3A_52 = arith.addi %scan3A, %scan3A_51 : i32
    %scan3A_53 = arith.constant 1 : i32
    scf.for %scan3A_120 = %scan3A to %scan3A_52 step %scan3A_53  : i32 {
      %get3A = arith.index_cast %scan3A_120 : i32 to index
      %get3A_121 = arith.constant 0 : index
      %get3A_122 = tpu.vector_load %arg7[%get3A, %get3A_121] {strides = array<i32>} : memref<256x128xf32, #tpu.memory_space<vmem>>, vector<1x16xf32>,
      %get3A_123 = vector.shape_cast %get3A_122 : vector<1x16xf32> to vector<16xf32>
      %mul3A_124 = arith.constant 10430.3779 : f32
      %mul3A_125 = vector.broadcast %mul3A_124 : f32 to vector<16xf32>
      %mul3A_126 = arith.mulf %get3A_123, %mul3A_125 : vector<16xf32>
      %convert_element_type3A = arith.fptosi %mul3A_126 : vector<16xf32> to vector<16xi32>
      %and3A = arith.constant 65535 : i32
      %and3A_127 = vector.broadcast %and3A : i32 to vector<16xi32>
      %and3A_128 = arith.andi %convert_element_type3A, %and3A_127 : vector<16xi32>
      %get3A_129 = arith.index_cast %scan3A_120 : i32 to index
      %get3A_130 = arith.constant 0 : index
      %get3A_131 = tpu.vector_load %arg8[%get3A_129, %get3A_130] {strides = array<i32>} : memref<256x128xf32, #tpu.memory_space<vmem>>, vector<1x16xf32>,
      %get3A_132 = vector.shape_cast %get3A_131 : vector<1x16xf32> to vector<16xf32>
      %mul3A_133 = arith.constant 10430.3779 : f32
      %mul3A_134 = vector.broadcast %mul3A_133 : f32 to vector<16xf32>
      %mul3A_135 = arith.mulf %get3A_132, %mul3A_134 : vector<16xf32>
      %convert_element_type3A_136 = arith.fptosi %mul3A_135 : vector<16xf32> to vector<16xi32>
      %shift_left3A = arith.constant 16 : i32
      %shift_left3A_137 = vector.broadcast %shift_left3A : i32 to vector<16xi32>
      %shift_left3A_138 = arith.shli %convert_element_type3A_136, %shift_left3A_137 : vector<16xi32>
      %or3A = arith.ori %and3A_128, %shift_left3A_138 : vector<16xi32>
      %swap3A = arith.index_cast %scan3A_120 : i32 to index
      %swap3A_139 = arith.constant 0 : index
      %swap3A_140 = tpu.vector_load %arg9[%swap3A, %swap3A_139] {strides = array<i32>} : memref<256x128xi32, #tpu.memory_space<vmem>>, vector<1x16xi32>,
      %swap3A_141 = vector.shape_cast %swap3A_140 : vector<1x16xi32> to vector<16xi32>
      %swap3A_142 = vector.shape_cast %or3A : vector<16xi32> to vector<1x16xi32>
      tpu.vector_store %arg9[%swap3A, %swap3A_139], %swap3A_142 {strides = array<i32>} : memref<256x128xi32, #tpu.memory_space<vmem>>, vector<1x16xi32>,
      %get3A_143 = arith.index_cast %scan3A_120 : i32 to index
      %get3A_144 = arith.constant 16 : index
      %get3A_145 = tpu.vector_load %arg7[%get3A_143, %get3A_144] {strides = array<i32>} : memref<256x128xf32, #tpu.memory_space<vmem>>, vector<1x16xf32>,
      %get3A_146 = vector.shape_cast %get3A_145 : vector<1x16xf32> to vector<16xf32>
      %mul3A_147 = arith.constant 10430.3779 : f32
      %mul3A_148 = vector.broadcast %mul3A_147 : f32 to vector<16xf32>
      %mul3A_149 = arith.mulf %get3A_146, %mul3A_148 : vector<16xf32>
      %convert_element_type3A_150 = arith.fptosi %mul3A_149 : vector<16xf32> to vector<16xi32>
      %and3A_151 = arith.constant 65535 : i32
      %and3A_152 = vector.broadcast %and3A_151 : i32 to vector<16xi32>
      %and3A_153 = arith.andi %convert_element_type3A_150, %and3A_152 : vector<16xi32>
      %get3A_154 = arith.index_cast %scan3A_120 : i32 to index
      %get3A_155 = arith.constant 16 : index
      %get3A_156 = tpu.vector_load %arg8[%get3A_154, %get3A_155] {strides = array<i32>} : memref<256x128xf32, #tpu.memory_space<vmem>>, vector<1x16xf32>,
      %get3A_157 = vector.shape_cast %get3A_156 : vector<1x16xf32> to vector<16xf32>
      %mul3A_158 = arith.constant 10430.3779 : f32
      %mul3A_159 = vector.broadcast %mul3A_158 : f32 to vector<16xf32>
      %mul3A_160 = arith.mulf %get3A_157, %mul3A_159 : vector<16xf32>
      %convert_element_type3A_161 = arith.fptosi %mul3A_160 : vector<16xf32> to vector<16xi32>
      %shift_left3A_162 = arith.constant 16 : i32
      %shift_left3A_163 = vector.broadcast %shift_left3A_162 : i32 to vector<16xi32>
      %shift_left3A_164 = arith.shli %convert_element_type3A_161, %shift_left3A_163 : vector<16xi32>
      %or3A_165 = arith.ori %and3A_153, %shift_left3A_164 : vector<16xi32>
      %swap3A_166 = arith.index_cast %scan3A_120 : i32 to index
      %swap3A_167 = arith.constant 16 : index
      %swap3A_168 = tpu.vector_load %arg9[%swap3A_166, %swap3A_167] {strides = array<i32>} : memref<256x128xi32, #tpu.memory_space<vmem>>, vector<1x16xi32>,
      %swap3A_169 = vector.shape_cast %swap3A_168 : vector<1x16xi32> to vector<16xi32>
      %swap3A_170 = vector.shape_cast %or3A_165 : vector<16xi32> to vector<1x16xi32>
      tpu.vector_store %arg9[%swap3A_166, %swap3A_167], %swap3A_170 {strides = array<i32>} : memref<256x128xi32, #tpu.memory_space<vmem>>, vector<1x16xi32>,
      %get3A_171 = arith.index_cast %scan3A_120 : i32 to index
      %get3A_172 = arith.constant 32 : index
      %get3A_173 = tpu.vector_load %arg7[%get3A_171, %get3A_172] {strides = array<i32>} : memref<256x128xf32, #tpu.memory_space<vmem>>, vector<1x16xf32>,
      %get3A_174 = vector.shape_cast %get3A_173 : vector<1x16xf32> to vector<16xf32>
      %mul3A_175 = arith.constant 10430.3779 : f32
      %mul3A_176 = vector.broadcast %mul3A_175 : f32 to vector<16xf32>
      %mul3A_177 = arith.mulf %get3A_174, %mul3A_176 : vector<16xf32>
      %convert_element_type3A_178 = arith.fptosi %mul3A_177 : vector<16xf32> to vector<16xi32>
      %and3A_179 = arith.constant 65535 : i32
      %and3A_180 = vector.broadcast %and3A_179 : i32 to vector<16xi32>
      %and3A_181 = arith.andi %convert_element_type3A_178, %and3A_180 : vector<16xi32>
      %get3A_182 = arith.index_cast %scan3A_120 : i32 to index
      %get3A_183 = arith.constant 32 : index
      %get3A_184 = tpu.vector_load %arg8[%get3A_182, %get3A_183] {strides = array<i32>} : memref<256x128xf32, #tpu.memory_space<vmem>>, vector<1x16xf32>,
      %get3A_185 = vector.shape_cast %get3A_184 : vector<1x16xf32> to vector<16xf32>
      %mul3A_186 = arith.constant 10430.3779 : f32
      %mul3A_187 = vector.broadcast %mul3A_186 : f32 to vector<16xf32>
      %mul3A_188 = arith.mulf %get3A_185, %mul3A_187 : vector<16xf32>
      %convert_element_type3A_189 = arith.fptosi %mul3A_188 : vector<16xf32> to vector<16xi32>
      %shift_left3A_190 = arith.constant 16 : i32
      %shift_left3A_191 = vector.broadcast %shift_left3A_190 : i32 to vector<16xi32>
      %shift_left3A_192 = arith.shli %convert_element_type3A_189, %shift_left3A_191 : vector<16xi32>
      %or3A_193 = arith.ori %and3A_181, %shift_left3A_192 : vector<16xi32>
      %swap3A_194 = arith.index_cast %scan3A_120 : i32 to index
      %swap3A_195 = arith.constant 32 : index
      %swap3A_196 = tpu.vector_load %arg9[%swap3A_194, %swap3A_195] {strides = array<i32>} : memref<256x128xi32, #tpu.memory_space<vmem>>, vector<1x16xi32>,
      %swap3A_197 = vector.shape_cast %swap3A_196 : vector<1x16xi32> to vector<16xi32>
      %swap3A_198 = vector.shape_cast %or3A_193 : vector<16xi32> to vector<1x16xi32>
      tpu.vector_store %arg9[%swap3A_194, %swap3A_195], %swap3A_198 {strides = array<i32>} : memref<256x128xi32, #tpu.memory_space<vmem>>, vector<1x16xi32>,
      %get3A_199 = arith.index_cast %scan3A_120 : i32 to index
      %get3A_200 = arith.constant 48 : index
      %get3A_201 = tpu.vector_load %arg7[%get3A_199, %get3A_200] {strides = array<i32>} : memref<256x128xf32, #tpu.memory_space<vmem>>, vector<1x16xf32>,
      %get3A_202 = vector.shape_cast %get3A_201 : vector<1x16xf32> to vector<16xf32>
      %mul3A_203 = arith.constant 10430.3779 : f32
      %mul3A_204 = vector.broadcast %mul3A_203 : f32 to vector<16xf32>
      %mul3A_205 = arith.mulf %get3A_202, %mul3A_204 : vector<16xf32>
      %convert_element_type3A_206 = arith.fptosi %mul3A_205 : vector<16xf32> to vector<16xi32>
      %and3A_207 = arith.constant 65535 : i32
      %and3A_208 = vector.broadcast %and3A_207 : i32 to vector<16xi32>
      %and3A_209 = arith.andi %convert_element_type3A_206, %and3A_208 : vector<16xi32>
      %get3A_210 = arith.index_cast %scan3A_120 : i32 to index
      %get3A_211 = arith.constant 48 : index
      %get3A_212 = tpu.vector_load %arg8[%get3A_210, %get3A_211] {strides = array<i32>} : memref<256x128xf32, #tpu.memory_space<vmem>>, vector<1x16xf32>,
      %get3A_213 = vector.shape_cast %get3A_212 : vector<1x16xf32> to vector<16xf32>
      %mul3A_214 = arith.constant 10430.3779 : f32
      %mul3A_215 = vector.broadcast %mul3A_214 : f32 to vector<16xf32>
      %mul3A_216 = arith.mulf %get3A_213, %mul3A_215 : vector<16xf32>
      %convert_element_type3A_217 = arith.fptosi %mul3A_216 : vector<16xf32> to vector<16xi32>
      %shift_left3A_218 = arith.constant 16 : i32
      %shift_left3A_219 = vector.broadcast %shift_left3A_218 : i32 to vector<16xi32>
      %shift_left3A_220 = arith.shli %convert_element_type3A_217, %shift_left3A_219 : vector<16xi32>
      %or3A_221 = arith.ori %and3A_209, %shift_left3A_220 : vector<16xi32>
      %swap3A_222 = arith.index_cast %scan3A_120 : i32 to index
      %swap3A_223 = arith.constant 48 : index
      %swap3A_224 = tpu.vector_load %arg9[%swap3A_222, %swap3A_223] {strides = array<i32>} : memref<256x128xi32, #tpu.memory_space<vmem>>, vector<1x16xi32>,
      %swap3A_225 = vector.shape_cast %swap3A_224 : vector<1x16xi32> to vector<16xi32>
      %swap3A_226 = vector.shape_cast %or3A_221 : vector<16xi32> to vector<1x16xi32>
      tpu.vector_store %arg9[%swap3A_222, %swap3A_223], %swap3A_226 {strides = array<i32>} : memref<256x128xi32, #tpu.memory_space<vmem>>, vector<1x16xi32>,
      %get3A_227 = arith.index_cast %scan3A_120 : i32 to index
      %get3A_228 = arith.constant 64 : index
      %get3A_229 = tpu.vector_load %arg7[%get3A_227, %get3A_228] {strides = array<i32>} : memref<256x128xf32, #tpu.memory_space<vmem>>, vector<1x16xf32>,
      %get3A_230 = vector.shape_cast %get3A_229 : vector<1x16xf32> to vector<16xf32>
      %mul3A_231 = arith.constant 10430.3779 : f32
      %mul3A_232 = vector.broadcast %mul3A_231 : f32 to vector<16xf32>
      %mul3A_233 = arith.mulf %get3A_230, %mul3A_232 : vector<16xf32>
      %convert_element_type3A_234 = arith.fptosi %mul3A_233 : vector<16xf32> to vector<16xi32>
      %and3A_235 = arith.constant 65535 : i32
      %and3A_236 = vector.broadcast %and3A_235 : i32 to vector<16xi32>
      %and3A_237 = arith.andi %convert_element_type3A_234, %and3A_236 : vector<16xi32>
      %get3A_238 = arith.index_cast %scan3A_120 : i32 to index
      %get3A_239 = arith.constant 64 : index
      %get3A_240 = tpu.vector_load %arg8[%get3A_238, %get3A_239] {strides = array<i32>} : memref<256x128xf32, #tpu.memory_space<vmem>>, vector<1x16xf32>,
      %get3A_241 = vector.shape_cast %get3A_240 : vector<1x16xf32> to vector<16xf32>
      %mul3A_242 = arith.constant 10430.3779 : f32
      %mul3A_243 = vector.broadcast %mul3A_242 : f32 to vector<16xf32>
      %mul3A_244 = arith.mulf %get3A_241, %mul3A_243 : vector<16xf32>
      %convert_element_type3A_245 = arith.fptosi %mul3A_244 : vector<16xf32> to vector<16xi32>
      %shift_left3A_246 = arith.constant 16 : i32
      %shift_left3A_247 = vector.broadcast %shift_left3A_246 : i32 to vector<16xi32>
      %shift_left3A_248 = arith.shli %convert_element_type3A_245, %shift_left3A_247 : vector<16xi32>
      %or3A_249 = arith.ori %and3A_237, %shift_left3A_248 : vector<16xi32>
      %swap3A_250 = arith.index_cast %scan3A_120 : i32 to index
      %swap3A_251 = arith.constant 64 : index
      %swap3A_252 = tpu.vector_load %arg9[%swap3A_250, %swap3A_251] {strides = array<i32>} : memref<256x128xi32, #tpu.memory_space<vmem>>, vector<1x16xi32>,
      %swap3A_253 = vector.shape_cast %swap3A_252 : vector<1x16xi32> to vector<16xi32>
      %swap3A_254 = vector.shape_cast %or3A_249 : vector<16xi32> to vector<1x16xi32>
      tpu.vector_store %arg9[%swap3A_250, %swap3A_251], %swap3A_254 {strides = array<i32>} : memref<256x128xi32, #tpu.memory_space<vmem>>, vector<1x16xi32>,
      %get3A_255 = arith.index_cast %scan3A_120 : i32 to index
      %get3A_256 = arith.constant 80 : index
      %get3A_257 = tpu.vector_load %arg7[%get3A_255, %get3A_256] {strides = array<i32>} : memref<256x128xf32, #tpu.memory_space<vmem>>, vector<1x16xf32>,
      %get3A_258 = vector.shape_cast %get3A_257 : vector<1x16xf32> to vector<16xf32>
      %mul3A_259 = arith.constant 10430.3779 : f32
      %mul3A_260 = vector.broadcast %mul3A_259 : f32 to vector<16xf32>
      %mul3A_261 = arith.mulf %get3A_258, %mul3A_260 : vector<16xf32>
      %convert_element_type3A_262 = arith.fptosi %mul3A_261 : vector<16xf32> to vector<16xi32>
      %and3A_263 = arith.constant 65535 : i32
      %and3A_264 = vector.broadcast %and3A_263 : i32 to vector<16xi32>
      %and3A_265 = arith.andi %convert_element_type3A_262, %and3A_264 : vector<16xi32>
      %get3A_266 = arith.index_cast %scan3A_120 : i32 to index
      %get3A_267 = arith.constant 80 : index
      %get3A_268 = tpu.vector_load %arg8[%get3A_266, %get3A_267] {strides = array<i32>} : memref<256x128xf32, #tpu.memory_space<vmem>>, vector<1x16xf32>,
      %get3A_269 = vector.shape_cast %get3A_268 : vector<1x16xf32> to vector<16xf32>
      %mul3A_270 = arith.constant 10430.3779 : f32
      %mul3A_271 = vector.broadcast %mul3A_270 : f32 to vector<16xf32>
      %mul3A_272 = arith.mulf %get3A_269, %mul3A_271 : vector<16xf32>
      %convert_element_type3A_273 = arith.fptosi %mul3A_272 : vector<16xf32> to vector<16xi32>
      %shift_left3A_274 = arith.constant 16 : i32
      %shift_left3A_275 = vector.broadcast %shift_left3A_274 : i32 to vector<16xi32>
      %shift_left3A_276 = arith.shli %convert_element_type3A_273, %shift_left3A_275 : vector<16xi32>
      %or3A_277 = arith.ori %and3A_265, %shift_left3A_276 : vector<16xi32>
      %swap3A_278 = arith.index_cast %scan3A_120 : i32 to index
      %swap3A_279 = arith.constant 80 : index
      %swap3A_280 = tpu.vector_load %arg9[%swap3A_278, %swap3A_279] {strides = array<i32>} : memref<256x128xi32, #tpu.memory_space<vmem>>, vector<1x16xi32>,
      %swap3A_281 = vector.shape_cast %swap3A_280 : vector<1x16xi32> to vector<16xi32>
      %swap3A_282 = vector.shape_cast %or3A_277 : vector<16xi32> to vector<1x16xi32>
      tpu.vector_store %arg9[%swap3A_278, %swap3A_279], %swap3A_282 {strides = array<i32>} : memref<256x128xi32, #tpu.memory_space<vmem>>, vector<1x16xi32>,
      %get3A_283 = arith.index_cast %scan3A_120 : i32 to index
      %get3A_284 = arith.constant 96 : index
      %get3A_285 = tpu.vector_load %arg7[%get3A_283, %get3A_284] {strides = array<i32>} : memref<256x128xf32, #tpu.memory_space<vmem>>, vector<1x16xf32>,
      %get3A_286 = vector.shape_cast %get3A_285 : vector<1x16xf32> to vector<16xf32>
      %mul3A_287 = arith.constant 10430.3779 : f32
      %mul3A_288 = vector.broadcast %mul3A_287 : f32 to vector<16xf32>
      %mul3A_289 = arith.mulf %get3A_286, %mul3A_288 : vector<16xf32>
      %convert_element_type3A_290 = arith.fptosi %mul3A_289 : vector<16xf32> to vector<16xi32>
      %and3A_291 = arith.constant 65535 : i32
      %and3A_292 = vector.broadcast %and3A_291 : i32 to vector<16xi32>
      %and3A_293 = arith.andi %convert_element_type3A_290, %and3A_292 : vector<16xi32>
      %get3A_294 = arith.index_cast %scan3A_120 : i32 to index
      %get3A_295 = arith.constant 96 : index
      %get3A_296 = tpu.vector_load %arg8[%get3A_294, %get3A_295] {strides = array<i32>} : memref<256x128xf32, #tpu.memory_space<vmem>>, vector<1x16xf32>,
      %get3A_297 = vector.shape_cast %get3A_296 : vector<1x16xf32> to vector<16xf32>
      %mul3A_298 = arith.constant 10430.3779 : f32
      %mul3A_299 = vector.broadcast %mul3A_298 : f32 to vector<16xf32>
      %mul3A_300 = arith.mulf %get3A_297, %mul3A_299 : vector<16xf32>
      %convert_element_type3A_301 = arith.fptosi %mul3A_300 : vector<16xf32> to vector<16xi32>
      %shift_left3A_302 = arith.constant 16 : i32
      %shift_left3A_303 = vector.broadcast %shift_left3A_302 : i32 to vector<16xi32>
      %shift_left3A_304 = arith.shli %convert_element_type3A_301, %shift_left3A_303 : vector<16xi32>
      %or3A_305 = arith.ori %and3A_293, %shift_left3A_304 : vector<16xi32>
      %swap3A_306 = arith.index_cast %scan3A_120 : i32 to index
      %swap3A_307 = arith.constant 96 : index
      %swap3A_308 = tpu.vector_load %arg9[%swap3A_306, %swap3A_307] {strides = array<i32>} : memref<256x128xi32, #tpu.memory_space<vmem>>, vector<1x16xi32>,
      %swap3A_309 = vector.shape_cast %swap3A_308 : vector<1x16xi32> to vector<16xi32>
      %swap3A_310 = vector.shape_cast %or3A_305 : vector<16xi32> to vector<1x16xi32>
      tpu.vector_store %arg9[%swap3A_306, %swap3A_307], %swap3A_310 {strides = array<i32>} : memref<256x128xi32, #tpu.memory_space<vmem>>, vector<1x16xi32>,
      %get3A_311 = arith.index_cast %scan3A_120 : i32 to index
      %get3A_312 = arith.constant 112 : index
      %get3A_313 = tpu.vector_load %arg7[%get3A_311, %get3A_312] {strides = array<i32>} : memref<256x128xf32, #tpu.memory_space<vmem>>, vector<1x16xf32>,
      %get3A_314 = vector.shape_cast %get3A_313 : vector<1x16xf32> to vector<16xf32>
      %mul3A_315 = arith.constant 10430.3779 : f32
      %mul3A_316 = vector.broadcast %mul3A_315 : f32 to vector<16xf32>
      %mul3A_317 = arith.mulf %get3A_314, %mul3A_316 : vector<16xf32>
      %convert_element_type3A_318 = arith.fptosi %mul3A_317 : vector<16xf32> to vector<16xi32>
      %and3A_319 = arith.constant 65535 : i32
      %and3A_320 = vector.broadcast %and3A_319 : i32 to vector<16xi32>
      %and3A_321 = arith.andi %convert_element_type3A_318, %and3A_320 : vector<16xi32>
      %get3A_322 = arith.index_cast %scan3A_120 : i32 to index
      %get3A_323 = arith.constant 112 : index
      %get3A_324 = tpu.vector_load %arg8[%get3A_322, %get3A_323] {strides = array<i32>} : memref<256x128xf32, #tpu.memory_space<vmem>>, vector<1x16xf32>,
      %get3A_325 = vector.shape_cast %get3A_324 : vector<1x16xf32> to vector<16xf32>
      %mul3A_326 = arith.constant 10430.3779 : f32
      %mul3A_327 = vector.broadcast %mul3A_326 : f32 to vector<16xf32>
      %mul3A_328 = arith.mulf %get3A_325, %mul3A_327 : vector<16xf32>
      %convert_element_type3A_329 = arith.fptosi %mul3A_328 : vector<16xf32> to vector<16xi32>
      %shift_left3A_330 = arith.constant 16 : i32
      %shift_left3A_331 = vector.broadcast %shift_left3A_330 : i32 to vector<16xi32>
      %shift_left3A_332 = arith.shli %convert_element_type3A_329, %shift_left3A_331 : vector<16xi32>
      %or3A_333 = arith.ori %and3A_321, %shift_left3A_332 : vector<16xi32>
      %swap3A_334 = arith.index_cast %scan3A_120 : i32 to index
      %swap3A_335 = arith.constant 112 : index
      %swap3A_336 = tpu.vector_load %arg9[%swap3A_334, %swap3A_335] {strides = array<i32>} : memref<256x128xi32, #tpu.memory_space<vmem>>, vector<1x16xi32>,
      %swap3A_337 = vector.shape_cast %swap3A_336 : vector<1x16xi32> to vector<16xi32>
      %swap3A_338 = vector.shape_cast %or3A_333 : vector<16xi32> to vector<1x16xi32>
      tpu.vector_store %arg9[%swap3A_334, %swap3A_335], %swap3A_338 {strides = array<i32>} : memref<256x128xi32, #tpu.memory_space<vmem>>, vector<1x16xi32>,
    }
    %scan3A_54 = arith.constant 128 : i32
    %add3A_55 = arith.constant 0 : i32
    %add3A_56 = arith.addi %mul3A_2, %add3A_55 : i32
    %dma_start3A_57 = arith.constant 0 : i32
    %dma_start3A_58 = arith.constant 0 : i32
    %dma_start3A_59 = tpu.memref_slice %arg9[%dma_start3A_57, %dma_start3A_58] : memref<256x128xi32, #tpu.memory_space<vmem>> -> memref<128x128xi32, #tpu.memory_space<vmem>>
    %dma_start3A_60 = arith.constant 0 : i32
    %dma_start3A_61 = tpu.memref_slice %arg4[%add3A_56, %dma_start3A_60] : memref<8192x128xi32, #tpu.memory_space<hbm>> -> memref<128x128xi32, #tpu.memory_space<hbm>>
    %dma_start3A_62 = arith.constant 0 : i32
    %dma_start3A_63 = tpu.memref_slice %arg4[%add3A_56, %dma_start3A_62] : memref<8192x128xi32, #tpu.memory_space<hbm>> -> memref<128x128xi32, #tpu.memory_space<hbm>>
    %dma_start3A_64 = arith.constant 0 : i32
    %dma_start3A_65 = arith.constant 0 : i32
    %dma_start3A_66 = tpu.memref_slice %arg9[%dma_start3A_64, %dma_start3A_65] : memref<256x128xi32, #tpu.memory_space<vmem>> -> memref<128x128xi32, #tpu.memory_space<vmem>>
    tpu.enqueue_dma source(%dma_start3A_66 : memref<128x128xi32, #tpu.memory_space<vmem>>) target(%dma_start3A_63 : memref<128x128xi32, #tpu.memory_space<hbm>>) target_semaphore(%arg11 : memref<!tpu.dma_semaphore, #tpu.memory_space<semaphore_mem>>)
    %dma_wait3A_67 = arith.constant 128 : i32
    %dma_wait3A_68 = arith.constant 0 : i32
    %dma_wait3A_69 = tpu.memref_slice %arg7[%dma_wait3A_67, %dma_wait3A_68] : memref<256x128xf32, #tpu.memory_space<vmem>> -> memref<128x128xf32, #tpu.memory_space<vmem>>
    %dma_wait3A_70 = arith.constant 128 : i32
    %dma_wait3A_71 = tpu.memref_slice %arg5[%dma_wait3A_70] : memref<256xi32, #tpu.memory_space<vmem>> -> memref<128xi32, #tpu.memory_space<vmem>>
    %dma_wait3A_72 = arith.constant 0 : i32
    %dma_wait3A_73 = arith.constant 0 : i32
    %dma_wait3A_74 = tpu.memref_slice %arg2[%dma_wait3A_72, %dma_wait3A_73] : memref<100000x128xf32, #tpu.memory_space<hbm>> -> memref<100000x128xf32, #tpu.memory_space<hbm>>
    tpu.wait_indirect_dma semaphore(%arg10 : memref<!tpu.dma_semaphore, #tpu.memory_space<semaphore_mem>>) src(%dma_wait3A_74 : memref<100000x128xf32, #tpu.memory_space<hbm>>) dst(%dma_wait3A_69 : memref<128x128xf32, #tpu.memory_space<vmem>>)
    %dma_wait3A_75 = arith.constant 128 : i32
    %dma_wait3A_76 = arith.constant 0 : i32
    %dma_wait3A_77 = tpu.memref_slice %arg8[%dma_wait3A_75, %dma_wait3A_76] : memref<256x128xf32, #tpu.memory_space<vmem>> -> memref<128x128xf32, #tpu.memory_space<vmem>>
    %dma_wait3A_78 = arith.constant 128 : i32
    %dma_wait3A_79 = tpu.memref_slice %arg6[%dma_wait3A_78] : memref<256xi32, #tpu.memory_space<vmem>> -> memref<128xi32, #tpu.memory_space<vmem>>
    %dma_wait3A_80 = arith.constant 0 : i32
    %dma_wait3A_81 = arith.constant 0 : i32
    %dma_wait3A_82 = tpu.memref_slice %arg2[%dma_wait3A_80, %dma_wait3A_81] : memref<100000x128xf32, #tpu.memory_space<hbm>> -> memref<100000x128xf32, #tpu.memory_space<hbm>>
    tpu.wait_indirect_dma semaphore(%arg10 : memref<!tpu.dma_semaphore, #tpu.memory_space<semaphore_mem>>) src(%dma_wait3A_82 : memref<100000x128xf32, #tpu.memory_space<hbm>>) dst(%dma_wait3A_77 : memref<128x128xf32, #tpu.memory_space<vmem>>)
    %scan3A_83 = arith.constant 128 : i32
    %scan3A_84 = arith.constant 128 : i32
    %scan3A_85 = arith.addi %scan3A_83, %scan3A_84 : i32
    %scan3A_86 = arith.constant 1 : i32
    scf.for %scan3A_120 = %scan3A_83 to %scan3A_85 step %scan3A_86  : i32 {
      %get3A = arith.index_cast %scan3A_120 : i32 to index
      %get3A_121 = arith.constant 0 : index
      %get3A_122 = tpu.vector_load %arg7[%get3A, %get3A_121] {strides = array<i32>} : memref<256x128xf32, #tpu.memory_space<vmem>>, vector<1x16xf32>,
      %get3A_123 = vector.shape_cast %get3A_122 : vector<1x16xf32> to vector<16xf32>
      %mul3A_124 = arith.constant 10430.3779 : f32
      %mul3A_125 = vector.broadcast %mul3A_124 : f32 to vector<16xf32>
      %mul3A_126 = arith.mulf %get3A_123, %mul3A_125 : vector<16xf32>
      %convert_element_type3A = arith.fptosi %mul3A_126 : vector<16xf32> to vector<16xi32>
      %and3A = arith.constant 65535 : i32
      %and3A_127 = vector.broadcast %and3A : i32 to vector<16xi32>
      %and3A_128 = arith.andi %convert_element_type3A, %and3A_127 : vector<16xi32>
      %get3A_129 = arith.index_cast %scan3A_120 : i32 to index
      %get3A_130 = arith.constant 0 : index
      %get3A_131 = tpu.vector_load %arg8[%get3A_129, %get3A_130] {strides = array<i32>} : memref<256x128xf32, #tpu.memory_space<vmem>>, vector<1x16xf32>,
      %get3A_132 = vector.shape_cast %get3A_131 : vector<1x16xf32> to vector<16xf32>
      %mul3A_133 = arith.constant 10430.3779 : f32
      %mul3A_134 = vector.broadcast %mul3A_133 : f32 to vector<16xf32>
      %mul3A_135 = arith.mulf %get3A_132, %mul3A_134 : vector<16xf32>
      %convert_element_type3A_136 = arith.fptosi %mul3A_135 : vector<16xf32> to vector<16xi32>
      %shift_left3A = arith.constant 16 : i32
      %shift_left3A_137 = vector.broadcast %shift_left3A : i32 to vector<16xi32>
      %shift_left3A_138 = arith.shli %convert_element_type3A_136, %shift_left3A_137 : vector<16xi32>
      %or3A = arith.ori %and3A_128, %shift_left3A_138 : vector<16xi32>
      %swap3A = arith.index_cast %scan3A_120 : i32 to index
      %swap3A_139 = arith.constant 0 : index
      %swap3A_140 = tpu.vector_load %arg9[%swap3A, %swap3A_139] {strides = array<i32>} : memref<256x128xi32, #tpu.memory_space<vmem>>, vector<1x16xi32>,
      %swap3A_141 = vector.shape_cast %swap3A_140 : vector<1x16xi32> to vector<16xi32>
      %swap3A_142 = vector.shape_cast %or3A : vector<16xi32> to vector<1x16xi32>
      tpu.vector_store %arg9[%swap3A, %swap3A_139], %swap3A_142 {strides = array<i32>} : memref<256x128xi32, #tpu.memory_space<vmem>>, vector<1x16xi32>,
      %get3A_143 = arith.index_cast %scan3A_120 : i32 to index
      %get3A_144 = arith.constant 16 : index
      %get3A_145 = tpu.vector_load %arg7[%get3A_143, %get3A_144] {strides = array<i32>} : memref<256x128xf32, #tpu.memory_space<vmem>>, vector<1x16xf32>,
      %get3A_146 = vector.shape_cast %get3A_145 : vector<1x16xf32> to vector<16xf32>
      %mul3A_147 = arith.constant 10430.3779 : f32
      %mul3A_148 = vector.broadcast %mul3A_147 : f32 to vector<16xf32>
      %mul3A_149 = arith.mulf %get3A_146, %mul3A_148 : vector<16xf32>
      %convert_element_type3A_150 = arith.fptosi %mul3A_149 : vector<16xf32> to vector<16xi32>
      %and3A_151 = arith.constant 65535 : i32
      %and3A_152 = vector.broadcast %and3A_151 : i32 to vector<16xi32>
      %and3A_153 = arith.andi %convert_element_type3A_150, %and3A_152 : vector<16xi32>
      %get3A_154 = arith.index_cast %scan3A_120 : i32 to index
      %get3A_155 = arith.constant 16 : index
      %get3A_156 = tpu.vector_load %arg8[%get3A_154, %get3A_155] {strides = array<i32>} : memref<256x128xf32, #tpu.memory_space<vmem>>, vector<1x16xf32>,
      %get3A_157 = vector.shape_cast %get3A_156 : vector<1x16xf32> to vector<16xf32>
      %mul3A_158 = arith.constant 10430.3779 : f32
      %mul3A_159 = vector.broadcast %mul3A_158 : f32 to vector<16xf32>
      %mul3A_160 = arith.mulf %get3A_157, %mul3A_159 : vector<16xf32>
      %convert_element_type3A_161 = arith.fptosi %mul3A_160 : vector<16xf32> to vector<16xi32>
      %shift_left3A_162 = arith.constant 16 : i32
      %shift_left3A_163 = vector.broadcast %shift_left3A_162 : i32 to vector<16xi32>
      %shift_left3A_164 = arith.shli %convert_element_type3A_161, %shift_left3A_163 : vector<16xi32>
      %or3A_165 = arith.ori %and3A_153, %shift_left3A_164 : vector<16xi32>
      %swap3A_166 = arith.index_cast %scan3A_120 : i32 to index
      %swap3A_167 = arith.constant 16 : index
      %swap3A_168 = tpu.vector_load %arg9[%swap3A_166, %swap3A_167] {strides = array<i32>} : memref<256x128xi32, #tpu.memory_space<vmem>>, vector<1x16xi32>,
      %swap3A_169 = vector.shape_cast %swap3A_168 : vector<1x16xi32> to vector<16xi32>
      %swap3A_170 = vector.shape_cast %or3A_165 : vector<16xi32> to vector<1x16xi32>
      tpu.vector_store %arg9[%swap3A_166, %swap3A_167], %swap3A_170 {strides = array<i32>} : memref<256x128xi32, #tpu.memory_space<vmem>>, vector<1x16xi32>,
      %get3A_171 = arith.index_cast %scan3A_120 : i32 to index
      %get3A_172 = arith.constant 32 : index
      %get3A_173 = tpu.vector_load %arg7[%get3A_171, %get3A_172] {strides = array<i32>} : memref<256x128xf32, #tpu.memory_space<vmem>>, vector<1x16xf32>,
      %get3A_174 = vector.shape_cast %get3A_173 : vector<1x16xf32> to vector<16xf32>
      %mul3A_175 = arith.constant 10430.3779 : f32
      %mul3A_176 = vector.broadcast %mul3A_175 : f32 to vector<16xf32>
      %mul3A_177 = arith.mulf %get3A_174, %mul3A_176 : vector<16xf32>
      %convert_element_type3A_178 = arith.fptosi %mul3A_177 : vector<16xf32> to vector<16xi32>
      %and3A_179 = arith.constant 65535 : i32
      %and3A_180 = vector.broadcast %and3A_179 : i32 to vector<16xi32>
      %and3A_181 = arith.andi %convert_element_type3A_178, %and3A_180 : vector<16xi32>
      %get3A_182 = arith.index_cast %scan3A_120 : i32 to index
      %get3A_183 = arith.constant 32 : index
      %get3A_184 = tpu.vector_load %arg8[%get3A_182, %get3A_183] {strides = array<i32>} : memref<256x128xf32, #tpu.memory_space<vmem>>, vector<1x16xf32>,
      %get3A_185 = vector.shape_cast %get3A_184 : vector<1x16xf32> to vector<16xf32>
      %mul3A_186 = arith.constant 10430.3779 : f32
      %mul3A_187 = vector.broadcast %mul3A_186 : f32 to vector<16xf32>
      %mul3A_188 = arith.mulf %get3A_185, %mul3A_187 : vector<16xf32>
      %convert_element_type3A_189 = arith.fptosi %mul3A_188 : vector<16xf32> to vector<16xi32>
      %shift_left3A_190 = arith.constant 16 : i32
      %shift_left3A_191 = vector.broadcast %shift_left3A_190 : i32 to vector<16xi32>
      %shift_left3A_192 = arith.shli %convert_element_type3A_189, %shift_left3A_191 : vector<16xi32>
      %or3A_193 = arith.ori %and3A_181, %shift_left3A_192 : vector<16xi32>
      %swap3A_194 = arith.index_cast %scan3A_120 : i32 to index
      %swap3A_195 = arith.constant 32 : index
      %swap3A_196 = tpu.vector_load %arg9[%swap3A_194, %swap3A_195] {strides = array<i32>} : memref<256x128xi32, #tpu.memory_space<vmem>>, vector<1x16xi32>,
      %swap3A_197 = vector.shape_cast %swap3A_196 : vector<1x16xi32> to vector<16xi32>
      %swap3A_198 = vector.shape_cast %or3A_193 : vector<16xi32> to vector<1x16xi32>
      tpu.vector_store %arg9[%swap3A_194, %swap3A_195], %swap3A_198 {strides = array<i32>} : memref<256x128xi32, #tpu.memory_space<vmem>>, vector<1x16xi32>,
      %get3A_199 = arith.index_cast %scan3A_120 : i32 to index
      %get3A_200 = arith.constant 48 : index
      %get3A_201 = tpu.vector_load %arg7[%get3A_199, %get3A_200] {strides = array<i32>} : memref<256x128xf32, #tpu.memory_space<vmem>>, vector<1x16xf32>,
      %get3A_202 = vector.shape_cast %get3A_201 : vector<1x16xf32> to vector<16xf32>
      %mul3A_203 = arith.constant 10430.3779 : f32
      %mul3A_204 = vector.broadcast %mul3A_203 : f32 to vector<16xf32>
      %mul3A_205 = arith.mulf %get3A_202, %mul3A_204 : vector<16xf32>
      %convert_element_type3A_206 = arith.fptosi %mul3A_205 : vector<16xf32> to vector<16xi32>
      %and3A_207 = arith.constant 65535 : i32
      %and3A_208 = vector.broadcast %and3A_207 : i32 to vector<16xi32>
      %and3A_209 = arith.andi %convert_element_type3A_206, %and3A_208 : vector<16xi32>
      %get3A_210 = arith.index_cast %scan3A_120 : i32 to index
      %get3A_211 = arith.constant 48 : index
      %get3A_212 = tpu.vector_load %arg8[%get3A_210, %get3A_211] {strides = array<i32>} : memref<256x128xf32, #tpu.memory_space<vmem>>, vector<1x16xf32>,
      %get3A_213 = vector.shape_cast %get3A_212 : vector<1x16xf32> to vector<16xf32>
      %mul3A_214 = arith.constant 10430.3779 : f32
      %mul3A_215 = vector.broadcast %mul3A_214 : f32 to vector<16xf32>
      %mul3A_216 = arith.mulf %get3A_213, %mul3A_215 : vector<16xf32>
      %convert_element_type3A_217 = arith.fptosi %mul3A_216 : vector<16xf32> to vector<16xi32>
      %shift_left3A_218 = arith.constant 16 : i32
      %shift_left3A_219 = vector.broadcast %shift_left3A_218 : i32 to vector<16xi32>
      %shift_left3A_220 = arith.shli %convert_element_type3A_217, %shift_left3A_219 : vector<16xi32>
      %or3A_221 = arith.ori %and3A_209, %shift_left3A_220 : vector<16xi32>
      %swap3A_222 = arith.index_cast %scan3A_120 : i32 to index
      %swap3A_223 = arith.constant 48 : index
      %swap3A_224 = tpu.vector_load %arg9[%swap3A_222, %swap3A_223] {strides = array<i32>} : memref<256x128xi32, #tpu.memory_space<vmem>>, vector<1x16xi32>,
      %swap3A_225 = vector.shape_cast %swap3A_224 : vector<1x16xi32> to vector<16xi32>
      %swap3A_226 = vector.shape_cast %or3A_221 : vector<16xi32> to vector<1x16xi32>
      tpu.vector_store %arg9[%swap3A_222, %swap3A_223], %swap3A_226 {strides = array<i32>} : memref<256x128xi32, #tpu.memory_space<vmem>>, vector<1x16xi32>,
      %get3A_227 = arith.index_cast %scan3A_120 : i32 to index
      %get3A_228 = arith.constant 64 : index
      %get3A_229 = tpu.vector_load %arg7[%get3A_227, %get3A_228] {strides = array<i32>} : memref<256x128xf32, #tpu.memory_space<vmem>>, vector<1x16xf32>,
      %get3A_230 = vector.shape_cast %get3A_229 : vector<1x16xf32> to vector<16xf32>
      %mul3A_231 = arith.constant 10430.3779 : f32
      %mul3A_232 = vector.broadcast %mul3A_231 : f32 to vector<16xf32>
      %mul3A_233 = arith.mulf %get3A_230, %mul3A_232 : vector<16xf32>
      %convert_element_type3A_234 = arith.fptosi %mul3A_233 : vector<16xf32> to vector<16xi32>
      %and3A_235 = arith.constant 65535 : i32
      %and3A_236 = vector.broadcast %and3A_235 : i32 to vector<16xi32>
      %and3A_237 = arith.andi %convert_element_type3A_234, %and3A_236 : vector<16xi32>
      %get3A_238 = arith.index_cast %scan3A_120 : i32 to index
      %get3A_239 = arith.constant 64 : index
      %get3A_240 = tpu.vector_load %arg8[%get3A_238, %get3A_239] {strides = array<i32>} : memref<256x128xf32, #tpu.memory_space<vmem>>, vector<1x16xf32>,
      %get3A_241 = vector.shape_cast %get3A_240 : vector<1x16xf32> to vector<16xf32>
      %mul3A_242 = arith.constant 10430.3779 : f32
      %mul3A_243 = vector.broadcast %mul3A_242 : f32 to vector<16xf32>
      %mul3A_244 = arith.mulf %get3A_241, %mul3A_243 : vector<16xf32>
      %convert_element_type3A_245 = arith.fptosi %mul3A_244 : vector<16xf32> to vector<16xi32>
      %shift_left3A_246 = arith.constant 16 : i32
      %shift_left3A_247 = vector.broadcast %shift_left3A_246 : i32 to vector<16xi32>
      %shift_left3A_248 = arith.shli %convert_element_type3A_245, %shift_left3A_247 : vector<16xi32>
      %or3A_249 = arith.ori %and3A_237, %shift_left3A_248 : vector<16xi32>
      %swap3A_250 = arith.index_cast %scan3A_120 : i32 to index
      %swap3A_251 = arith.constant 64 : index
      %swap3A_252 = tpu.vector_load %arg9[%swap3A_250, %swap3A_251] {strides = array<i32>} : memref<256x128xi32, #tpu.memory_space<vmem>>, vector<1x16xi32>,
      %swap3A_253 = vector.shape_cast %swap3A_252 : vector<1x16xi32> to vector<16xi32>
      %swap3A_254 = vector.shape_cast %or3A_249 : vector<16xi32> to vector<1x16xi32>
      tpu.vector_store %arg9[%swap3A_250, %swap3A_251], %swap3A_254 {strides = array<i32>} : memref<256x128xi32, #tpu.memory_space<vmem>>, vector<1x16xi32>,
      %get3A_255 = arith.index_cast %scan3A_120 : i32 to index
      %get3A_256 = arith.constant 80 : index
      %get3A_257 = tpu.vector_load %arg7[%get3A_255, %get3A_256] {strides = array<i32>} : memref<256x128xf32, #tpu.memory_space<vmem>>, vector<1x16xf32>,
      %get3A_258 = vector.shape_cast %get3A_257 : vector<1x16xf32> to vector<16xf32>
      %mul3A_259 = arith.constant 10430.3779 : f32
      %mul3A_260 = vector.broadcast %mul3A_259 : f32 to vector<16xf32>
      %mul3A_261 = arith.mulf %get3A_258, %mul3A_260 : vector<16xf32>
      %convert_element_type3A_262 = arith.fptosi %mul3A_261 : vector<16xf32> to vector<16xi32>
      %and3A_263 = arith.constant 65535 : i32
      %and3A_264 = vector.broadcast %and3A_263 : i32 to vector<16xi32>
      %and3A_265 = arith.andi %convert_element_type3A_262, %and3A_264 : vector<16xi32>
      %get3A_266 = arith.index_cast %scan3A_120 : i32 to index
      %get3A_267 = arith.constant 80 : index
      %get3A_268 = tpu.vector_load %arg8[%get3A_266, %get3A_267] {strides = array<i32>} : memref<256x128xf32, #tpu.memory_space<vmem>>, vector<1x16xf32>,
      %get3A_269 = vector.shape_cast %get3A_268 : vector<1x16xf32> to vector<16xf32>
      %mul3A_270 = arith.constant 10430.3779 : f32
      %mul3A_271 = vector.broadcast %mul3A_270 : f32 to vector<16xf32>
      %mul3A_272 = arith.mulf %get3A_269, %mul3A_271 : vector<16xf32>
      %convert_element_type3A_273 = arith.fptosi %mul3A_272 : vector<16xf32> to vector<16xi32>
      %shift_left3A_274 = arith.constant 16 : i32
      %shift_left3A_275 = vector.broadcast %shift_left3A_274 : i32 to vector<16xi32>
      %shift_left3A_276 = arith.shli %convert_element_type3A_273, %shift_left3A_275 : vector<16xi32>
      %or3A_277 = arith.ori %and3A_265, %shift_left3A_276 : vector<16xi32>
      %swap3A_278 = arith.index_cast %scan3A_120 : i32 to index
      %swap3A_279 = arith.constant 80 : index
      %swap3A_280 = tpu.vector_load %arg9[%swap3A_278, %swap3A_279] {strides = array<i32>} : memref<256x128xi32, #tpu.memory_space<vmem>>, vector<1x16xi32>,
      %swap3A_281 = vector.shape_cast %swap3A_280 : vector<1x16xi32> to vector<16xi32>
      %swap3A_282 = vector.shape_cast %or3A_277 : vector<16xi32> to vector<1x16xi32>
      tpu.vector_store %arg9[%swap3A_278, %swap3A_279], %swap3A_282 {strides = array<i32>} : memref<256x128xi32, #tpu.memory_space<vmem>>, vector<1x16xi32>,
      %get3A_283 = arith.index_cast %scan3A_120 : i32 to index
      %get3A_284 = arith.constant 96 : index
      %get3A_285 = tpu.vector_load %arg7[%get3A_283, %get3A_284] {strides = array<i32>} : memref<256x128xf32, #tpu.memory_space<vmem>>, vector<1x16xf32>,
      %get3A_286 = vector.shape_cast %get3A_285 : vector<1x16xf32> to vector<16xf32>
      %mul3A_287 = arith.constant 10430.3779 : f32
      %mul3A_288 = vector.broadcast %mul3A_287 : f32 to vector<16xf32>
      %mul3A_289 = arith.mulf %get3A_286, %mul3A_288 : vector<16xf32>
      %convert_element_type3A_290 = arith.fptosi %mul3A_289 : vector<16xf32> to vector<16xi32>
      %and3A_291 = arith.constant 65535 : i32
      %and3A_292 = vector.broadcast %and3A_291 : i32 to vector<16xi32>
      %and3A_293 = arith.andi %convert_element_type3A_290, %and3A_292 : vector<16xi32>
      %get3A_294 = arith.index_cast %scan3A_120 : i32 to index
      %get3A_295 = arith.constant 96 : index
      %get3A_296 = tpu.vector_load %arg8[%get3A_294, %get3A_295] {strides = array<i32>} : memref<256x128xf32, #tpu.memory_space<vmem>>, vector<1x16xf32>,
      %get3A_297 = vector.shape_cast %get3A_296 : vector<1x16xf32> to vector<16xf32>
      %mul3A_298 = arith.constant 10430.3779 : f32
      %mul3A_299 = vector.broadcast %mul3A_298 : f32 to vector<16xf32>
      %mul3A_300 = arith.mulf %get3A_297, %mul3A_299 : vector<16xf32>
      %convert_element_type3A_301 = arith.fptosi %mul3A_300 : vector<16xf32> to vector<16xi32>
      %shift_left3A_302 = arith.constant 16 : i32
      %shift_left3A_303 = vector.broadcast %shift_left3A_302 : i32 to vector<16xi32>
      %shift_left3A_304 = arith.shli %convert_element_type3A_301, %shift_left3A_303 : vector<16xi32>
      %or3A_305 = arith.ori %and3A_293, %shift_left3A_304 : vector<16xi32>
      %swap3A_306 = arith.index_cast %scan3A_120 : i32 to index
      %swap3A_307 = arith.constant 96 : index
      %swap3A_308 = tpu.vector_load %arg9[%swap3A_306, %swap3A_307] {strides = array<i32>} : memref<256x128xi32, #tpu.memory_space<vmem>>, vector<1x16xi32>,
      %swap3A_309 = vector.shape_cast %swap3A_308 : vector<1x16xi32> to vector<16xi32>
      %swap3A_310 = vector.shape_cast %or3A_305 : vector<16xi32> to vector<1x16xi32>
      tpu.vector_store %arg9[%swap3A_306, %swap3A_307], %swap3A_310 {strides = array<i32>} : memref<256x128xi32, #tpu.memory_space<vmem>>, vector<1x16xi32>,
      %get3A_311 = arith.index_cast %scan3A_120 : i32 to index
      %get3A_312 = arith.constant 112 : index
      %get3A_313 = tpu.vector_load %arg7[%get3A_311, %get3A_312] {strides = array<i32>} : memref<256x128xf32, #tpu.memory_space<vmem>>, vector<1x16xf32>,
      %get3A_314 = vector.shape_cast %get3A_313 : vector<1x16xf32> to vector<16xf32>
      %mul3A_315 = arith.constant 10430.3779 : f32
      %mul3A_316 = vector.broadcast %mul3A_315 : f32 to vector<16xf32>
      %mul3A_317 = arith.mulf %get3A_314, %mul3A_316 : vector<16xf32>
      %convert_element_type3A_318 = arith.fptosi %mul3A_317 : vector<16xf32> to vector<16xi32>
      %and3A_319 = arith.constant 65535 : i32
      %and3A_320 = vector.broadcast %and3A_319 : i32 to vector<16xi32>
      %and3A_321 = arith.andi %convert_element_type3A_318, %and3A_320 : vector<16xi32>
      %get3A_322 = arith.index_cast %scan3A_120 : i32 to index
      %get3A_323 = arith.constant 112 : index
      %get3A_324 = tpu.vector_load %arg8[%get3A_322, %get3A_323] {strides = array<i32>} : memref<256x128xf32, #tpu.memory_space<vmem>>, vector<1x16xf32>,
      %get3A_325 = vector.shape_cast %get3A_324 : vector<1x16xf32> to vector<16xf32>
      %mul3A_326 = arith.constant 10430.3779 : f32
      %mul3A_327 = vector.broadcast %mul3A_326 : f32 to vector<16xf32>
      %mul3A_328 = arith.mulf %get3A_325, %mul3A_327 : vector<16xf32>
      %convert_element_type3A_329 = arith.fptosi %mul3A_328 : vector<16xf32> to vector<16xi32>
      %shift_left3A_330 = arith.constant 16 : i32
      %shift_left3A_331 = vector.broadcast %shift_left3A_330 : i32 to vector<16xi32>
      %shift_left3A_332 = arith.shli %convert_element_type3A_329, %shift_left3A_331 : vector<16xi32>
      %or3A_333 = arith.ori %and3A_321, %shift_left3A_332 : vector<16xi32>
      %swap3A_334 = arith.index_cast %scan3A_120 : i32 to index
      %swap3A_335 = arith.constant 112 : index
      %swap3A_336 = tpu.vector_load %arg9[%swap3A_334, %swap3A_335] {strides = array<i32>} : memref<256x128xi32, #tpu.memory_space<vmem>>, vector<1x16xi32>,
      %swap3A_337 = vector.shape_cast %swap3A_336 : vector<1x16xi32> to vector<16xi32>
      %swap3A_338 = vector.shape_cast %or3A_333 : vector<16xi32> to vector<1x16xi32>
      tpu.vector_store %arg9[%swap3A_334, %swap3A_335], %swap3A_338 {strides = array<i32>} : memref<256x128xi32, #tpu.memory_space<vmem>>, vector<1x16xi32>,
    }
    %scan3A_87 = arith.constant 128 : i32
    %add3A_88 = arith.constant 128 : i32
    %add3A_89 = arith.addi %mul3A_2, %add3A_88 : i32
    %dma_start3A_90 = arith.constant 128 : i32
    %dma_start3A_91 = arith.constant 0 : i32
    %dma_start3A_92 = tpu.memref_slice %arg9[%dma_start3A_90, %dma_start3A_91] : memref<256x128xi32, #tpu.memory_space<vmem>> -> memref<128x128xi32, #tpu.memory_space<vmem>>
    %dma_start3A_93 = arith.constant 0 : i32
    %dma_start3A_94 = tpu.memref_slice %arg4[%add3A_89, %dma_start3A_93] : memref<8192x128xi32, #tpu.memory_space<hbm>> -> memref<128x128xi32, #tpu.memory_space<hbm>>
    %dma_start3A_95 = arith.constant 0 : i32
    %dma_start3A_96 = tpu.memref_slice %arg4[%add3A_89, %dma_start3A_95] : memref<8192x128xi32, #tpu.memory_space<hbm>> -> memref<128x128xi32, #tpu.memory_space<hbm>>
    %dma_start3A_97 = arith.constant 128 : i32
    %dma_start3A_98 = arith.constant 0 : i32
    %dma_start3A_99 = tpu.memref_slice %arg9[%dma_start3A_97, %dma_start3A_98] : memref<256x128xi32, #tpu.memory_space<vmem>> -> memref<128x128xi32, #tpu.memory_space<vmem>>
    tpu.enqueue_dma source(%dma_start3A_99 : memref<128x128xi32, #tpu.memory_space<vmem>>) target(%dma_start3A_96 : memref<128x128xi32, #tpu.memory_space<hbm>>) target_semaphore(%arg11 : memref<!tpu.dma_semaphore, #tpu.memory_space<semaphore_mem>>)
    %dma_wait3A_100 = arith.constant 0 : i32
    %dma_wait3A_101 = arith.constant 0 : i32
    %dma_wait3A_102 = tpu.memref_slice %arg9[%dma_wait3A_100, %dma_wait3A_101] : memref<256x128xi32, #tpu.memory_space<vmem>> -> memref<128x128xi32, #tpu.memory_space<vmem>>
    %dma_wait3A_103 = arith.constant 0 : i32
    %dma_wait3A_104 = tpu.memref_slice %arg4[%add3A_56, %dma_wait3A_103] : memref<8192x128xi32, #tpu.memory_space<hbm>> -> memref<128x128xi32, #tpu.memory_space<hbm>>
    %dma_wait3A_105 = arith.constant 0 : i32
    %dma_wait3A_106 = tpu.memref_slice %arg4[%add3A_56, %dma_wait3A_105] : memref<8192x128xi32, #tpu.memory_space<hbm>> -> memref<128x128xi32, #tpu.memory_space<hbm>>
    %dma_wait3A_107 = arith.constant 0 : i32
    %dma_wait3A_108 = arith.constant 0 : i32
    %dma_wait3A_109 = tpu.memref_slice %arg9[%dma_wait3A_107, %dma_wait3A_108] : memref<256x128xi32, #tpu.memory_space<vmem>> -> memref<128x128xi32, #tpu.memory_space<vmem>>
    tpu.wait_dma2 semaphore(%arg11 : memref<!tpu.dma_semaphore, #tpu.memory_space<semaphore_mem>>) src(%dma_wait3A_109 : memref<128x128xi32, #tpu.memory_space<vmem>>) dst(%dma_wait3A_106 : memref<128x128xi32, #tpu.memory_space<hbm>>)
    %dma_wait3A_110 = arith.constant 128 : i32
    %dma_wait3A_111 = arith.constant 0 : i32
    %dma_wait3A_112 = tpu.memref_slice %arg9[%dma_wait3A_110, %dma_wait3A_111] : memref<256x128xi32, #tpu.memory_space<vmem>> -> memref<128x128xi32, #tpu.memory_space<vmem>>
    %dma_wait3A_113 = arith.constant 0 : i32
    %dma_wait3A_114 = tpu.memref_slice %arg4[%add3A_89, %dma_wait3A_113] : memref<8192x128xi32, #tpu.memory_space<hbm>> -> memref<128x128xi32, #tpu.memory_space<hbm>>
    %dma_wait3A_115 = arith.constant 0 : i32
    %dma_wait3A_116 = tpu.memref_slice %arg4[%add3A_89, %dma_wait3A_115] : memref<8192x128xi32, #tpu.memory_space<hbm>> -> memref<128x128xi32, #tpu.memory_space<hbm>>
    %dma_wait3A_117 = arith.constant 128 : i32
    %dma_wait3A_118 = arith.constant 0 : i32
    %dma_wait3A_119 = tpu.memref_slice %arg9[%dma_wait3A_117, %dma_wait3A_118] : memref<256x128xi32, #tpu.memory_space<vmem>> -> memref<128x128xi32, #tpu.memory_space<vmem>>
    tpu.wait_dma2 semaphore(%arg11 : memref<!tpu.dma_semaphore, #tpu.memory_space<semaphore_mem>>) src(%dma_wait3A_119 : memref<128x128xi32, #tpu.memory_space<vmem>>) dst(%dma_wait3A_116 : memref<128x128xi32, #tpu.memory_space<hbm>>)
    return
  }
}

module attributes {stable_mosaic.version = 14 : i64} {
  func.func @_score_body(%arg0: i32, %arg1: memref<2048x256xf32, #tpu.memory_space<vmem>>, %arg2: memref<2048x256xf32, #tpu.memory_space<vmem>>, %arg3: memref<2048x256xf32, #tpu.memory_space<vmem>>, %arg4: memref<2048x256xf32, #tpu.memory_space<vmem>>, %arg5: memref<2048x128xi32, #tpu.memory_space<vmem>>, %arg6: memref<2048xf32, #tpu.memory_space<vmem>>, %arg7: memref<2048xf32, #tpu.memory_space<vmem>>) attributes {dimension_semantics = [#tpu.dimension_semantics<arbitrary>], iteration_bounds = array<i64: 4>, scalar_prefetch = 0 : i64, scratch_operands = 0 : i64, tpu.core_type = #tpu.core_type<tc>, window_params = [{transform_indices = @transform_0, window_bounds = array<i64: 2048, 256>}, {transform_indices = @transform_1, window_bounds = array<i64: 2048, 256>}, {transform_indices = @transform_2, window_bounds = array<i64: 2048, 256>}, {transform_indices = @transform_3, window_bounds = array<i64: 2048, 256>}, {transform_indices = @transform_4, window_bounds = array<i64: 2048, 128>}, {transform_indices = @transform_5, window_bounds = array<i64: 2048>}, {transform_indices = @transform_6, window_bounds = array<i64: 2048>}]} {
    %get3A = arith.constant 0 : index
    %get3A_0 = arith.constant 0 : index
    %get3A_1 = vector.load %arg5[%get3A, %get3A_0] : memref<2048x128xi32, #tpu.memory_space<vmem>>, vector<2048x128xi32>
    %and3A = arith.constant 65535 : i32
    %and3A_2 = vector.broadcast %and3A : i32 to vector<2048x128xi32>
    %and3A_3 = arith.andi %get3A_1, %and3A_2 : vector<2048x128xi32>
    %convert_element_type3A = arith.sitofp %and3A_3 : vector<2048x128xi32> to vector<2048x128xf32>
    %mul3A = arith.constant 9.587380e-05 : f32
    %mul3A_4 = vector.broadcast %mul3A : f32 to vector<2048x128xf32>
    %mul3A_5 = arith.mulf %convert_element_type3A, %mul3A_4 : vector<2048x128xf32>
    %shift_right_logical3A = arith.constant 16 : i32
    %shift_right_logical3A_6 = vector.broadcast %shift_right_logical3A : i32 to vector<2048x128xi32>
    %shift_right_logical3A_7 = arith.shrui %get3A_1, %shift_right_logical3A_6 : vector<2048x128xi32>
    %convert_element_type3A_8 = arith.sitofp %shift_right_logical3A_7 : vector<2048x128xi32> to vector<2048x128xf32>
    %mul3A_9 = arith.constant 9.587380e-05 : f32
    %mul3A_10 = vector.broadcast %mul3A_9 : f32 to vector<2048x128xf32>
    %mul3A_11 = arith.mulf %convert_element_type3A_8, %mul3A_10 : vector<2048x128xf32>
    %get3A_12 = arith.constant 0 : index
    %get3A_13 = arith.constant 0 : index
    %get3A_14 = vector.load %arg1[%get3A_12, %get3A_13] : memref<2048x256xf32, #tpu.memory_space<vmem>>, vector<2048x256xf32>
    %get3A_15 = arith.constant 0 : index
    %get3A_16 = arith.constant 0 : index
    %get3A_17 = vector.load %arg2[%get3A_15, %get3A_16] : memref<2048x256xf32, #tpu.memory_space<vmem>>, vector<2048x256xf32>
    %sub3A = arith.constant 3.14159274 : f32
    %sub3A_18 = vector.broadcast %sub3A : f32 to vector<2048x128xf32>
    %sub3A_19 = arith.subf %mul3A_5, %sub3A_18 : vector<2048x128xf32>
    %mul3A_20 = arith.mulf %sub3A_19, %sub3A_19 : vector<2048x128xf32>
    %mul3A_21 = arith.constant -2.06959694E-8 : f32
    %mul3A_22 = vector.broadcast %mul3A_21 : f32 to vector<2048x128xf32>
    %mul3A_23 = arith.mulf %mul3A_20, %mul3A_22 : vector<2048x128xf32>
    %add3A = arith.constant 2.70832606E-6 : f32
    %add3A_24 = vector.broadcast %add3A : f32 to vector<2048x128xf32>
    %add3A_25 = arith.addf %add3A_24, %mul3A_23 : vector<2048x128xf32>
    %mul3A_26 = arith.mulf %mul3A_20, %add3A_25 : vector<2048x128xf32>
    %add3A_27 = arith.constant -1.98166919E-4 : f32
    %add3A_28 = vector.broadcast %add3A_27 : f32 to vector<2048x128xf32>
    %add3A_29 = arith.addf %add3A_28, %mul3A_26 : vector<2048x128xf32>
    %mul3A_30 = arith.mulf %mul3A_20, %add3A_29 : vector<2048x128xf32>
    %add3A_31 = arith.constant 0.00833273213 : f32
    %add3A_32 = vector.broadcast %add3A_31 : f32 to vector<2048x128xf32>
    %add3A_33 = arith.addf %add3A_32, %mul3A_30 : vector<2048x128xf32>
    %mul3A_34 = arith.mulf %mul3A_20, %add3A_33 : vector<2048x128xf32>
    %add3A_35 = arith.constant -0.166666076 : f32
    %add3A_36 = vector.broadcast %add3A_35 : f32 to vector<2048x128xf32>
    %add3A_37 = arith.addf %add3A_36, %mul3A_34 : vector<2048x128xf32>
    %mul3A_38 = arith.mulf %mul3A_20, %add3A_37 : vector<2048x128xf32>
    %add3A_39 = arith.constant 0.99999988 : f32
    %add3A_40 = vector.broadcast %add3A_39 : f32 to vector<2048x128xf32>
    %add3A_41 = arith.addf %add3A_40, %mul3A_38 : vector<2048x128xf32>
    %mul3A_42 = arith.mulf %sub3A_19, %add3A_41 : vector<2048x128xf32>
    %mul3A_43 = arith.constant 1.7243752E-9 : f32
    %mul3A_44 = vector.broadcast %mul3A_43 : f32 to vector<2048x128xf32>
    %mul3A_45 = arith.mulf %mul3A_20, %mul3A_44 : vector<2048x128xf32>
    %add3A_46 = arith.constant -2.70754498E-7 : f32
    %add3A_47 = vector.broadcast %add3A_46 : f32 to vector<2048x128xf32>
    %add3A_48 = arith.addf %add3A_47, %mul3A_45 : vector<2048x128xf32>
    %mul3A_49 = arith.mulf %mul3A_20, %add3A_48 : vector<2048x128xf32>
    %add3A_50 = arith.constant 2.47690532E-5 : f32
    %add3A_51 = vector.broadcast %add3A_50 : f32 to vector<2048x128xf32>
    %add3A_52 = arith.addf %add3A_51, %mul3A_49 : vector<2048x128xf32>
    %mul3A_53 = arith.mulf %mul3A_20, %add3A_52 : vector<2048x128xf32>
    %add3A_54 = arith.constant -0.00138877321 : f32
    %add3A_55 = vector.broadcast %add3A_54 : f32 to vector<2048x128xf32>
    %add3A_56 = arith.addf %add3A_55, %mul3A_53 : vector<2048x128xf32>
    %mul3A_57 = arith.mulf %mul3A_20, %add3A_56 : vector<2048x128xf32>
    %add3A_58 = arith.constant 0.041666463 : f32
    %add3A_59 = vector.broadcast %add3A_58 : f32 to vector<2048x128xf32>
    %add3A_60 = arith.addf %add3A_59, %mul3A_57 : vector<2048x128xf32>
    %mul3A_61 = arith.mulf %mul3A_20, %add3A_60 : vector<2048x128xf32>
    %add3A_62 = arith.constant -0.499999851 : f32
    %add3A_63 = vector.broadcast %add3A_62 : f32 to vector<2048x128xf32>
    %add3A_64 = arith.addf %add3A_63, %mul3A_61 : vector<2048x128xf32>
    %mul3A_65 = arith.mulf %mul3A_20, %add3A_64 : vector<2048x128xf32>
    %add3A_66 = arith.constant 1.000000e+00 : f32
    %add3A_67 = vector.broadcast %add3A_66 : f32 to vector<2048x128xf32>
    %add3A_68 = arith.addf %add3A_67, %mul3A_65 : vector<2048x128xf32>
    %slice3A = vector.extract_strided_slice %get3A_14 {offsets = [0, 0], sizes = [2048, 128], strides = [1, 1]} : vector<2048x256xf32> to vector<2048x128xf32>
    %slice3A_69 = vector.extract_strided_slice %get3A_14 {offsets = [0, 128], sizes = [2048, 128], strides = [1, 1]} : vector<2048x256xf32> to vector<2048x128xf32>
    %mul3A_70 = arith.mulf %slice3A_69, %mul3A_42 : vector<2048x128xf32>
    %mul3A_71 = arith.mulf %slice3A, %add3A_68 : vector<2048x128xf32>
    %sub3A_72 = arith.subf %mul3A_70, %mul3A_71 : vector<2048x128xf32>
    %slice3A_73 = vector.extract_strided_slice %get3A_17 {offsets = [0, 0], sizes = [2048, 128], strides = [1, 1]} : vector<2048x256xf32> to vector<2048x128xf32>
    %sub3A_74 = arith.subf %sub3A_72, %slice3A_73 : vector<2048x128xf32>
    %mul3A_75 = arith.mulf %slice3A, %mul3A_42 : vector<2048x128xf32>
    %mul3A_76 = arith.mulf %slice3A_69, %add3A_68 : vector<2048x128xf32>
    %add3A_77 = arith.addf %mul3A_75, %mul3A_76 : vector<2048x128xf32>
    %slice3A_78 = vector.extract_strided_slice %get3A_17 {offsets = [0, 128], sizes = [2048, 128], strides = [1, 1]} : vector<2048x256xf32> to vector<2048x128xf32>
    %add3A_79 = arith.addf %add3A_77, %slice3A_78 : vector<2048x128xf32>
    %mul3A_80 = arith.mulf %sub3A_74, %sub3A_74 : vector<2048x128xf32>
    %mul3A_81 = arith.mulf %add3A_79, %add3A_79 : vector<2048x128xf32>
    %add3A_82 = arith.addf %mul3A_80, %mul3A_81 : vector<2048x128xf32>
    %sqrt3A = math.sqrt %add3A_82 : vector<2048x128xf32>
    %slice3A_83 = vector.extract_strided_slice %sqrt3A {offsets = [0, 0], sizes = [128, 128], strides = [1, 1]} : vector<2048x128xf32> to vector<128x128xf32>
    %transpose3A = tpu.transpose %slice3A_83, [1, 0] : vector<128x128xf32> -> vector<128x128xf32>
    %reduce_sum3A = arith.constant dense<0.000000e+00> : vector<128xf32>
    %reduce_sum3A_84 = vector.multi_reduction <add>, %transpose3A, %reduce_sum3A [0] : vector<128x128xf32> to vector<128xf32>
    %slice3A_85 = vector.extract_strided_slice %sqrt3A {offsets = [128, 0], sizes = [128, 128], strides = [1, 1]} : vector<2048x128xf32> to vector<128x128xf32>
    %transpose3A_86 = tpu.transpose %slice3A_85, [1, 0] : vector<128x128xf32> -> vector<128x128xf32>
    %reduce_sum3A_87 = arith.constant dense<0.000000e+00> : vector<128xf32>
    %reduce_sum3A_88 = vector.multi_reduction <add>, %transpose3A_86, %reduce_sum3A_87 [0] : vector<128x128xf32> to vector<128xf32>
    %slice3A_89 = vector.extract_strided_slice %sqrt3A {offsets = [256, 0], sizes = [128, 128], strides = [1, 1]} : vector<2048x128xf32> to vector<128x128xf32>
    %transpose3A_90 = tpu.transpose %slice3A_89, [1, 0] : vector<128x128xf32> -> vector<128x128xf32>
    %reduce_sum3A_91 = arith.constant dense<0.000000e+00> : vector<128xf32>
    %reduce_sum3A_92 = vector.multi_reduction <add>, %transpose3A_90, %reduce_sum3A_91 [0] : vector<128x128xf32> to vector<128xf32>
    %slice3A_93 = vector.extract_strided_slice %sqrt3A {offsets = [384, 0], sizes = [128, 128], strides = [1, 1]} : vector<2048x128xf32> to vector<128x128xf32>
    %transpose3A_94 = tpu.transpose %slice3A_93, [1, 0] : vector<128x128xf32> -> vector<128x128xf32>
    %reduce_sum3A_95 = arith.constant dense<0.000000e+00> : vector<128xf32>
    %reduce_sum3A_96 = vector.multi_reduction <add>, %transpose3A_94, %reduce_sum3A_95 [0] : vector<128x128xf32> to vector<128xf32>
    %slice3A_97 = vector.extract_strided_slice %sqrt3A {offsets = [512, 0], sizes = [128, 128], strides = [1, 1]} : vector<2048x128xf32> to vector<128x128xf32>
    %transpose3A_98 = tpu.transpose %slice3A_97, [1, 0] : vector<128x128xf32> -> vector<128x128xf32>
    %reduce_sum3A_99 = arith.constant dense<0.000000e+00> : vector<128xf32>
    %reduce_sum3A_100 = vector.multi_reduction <add>, %transpose3A_98, %reduce_sum3A_99 [0] : vector<128x128xf32> to vector<128xf32>
    %slice3A_101 = vector.extract_strided_slice %sqrt3A {offsets = [640, 0], sizes = [128, 128], strides = [1, 1]} : vector<2048x128xf32> to vector<128x128xf32>
    %transpose3A_102 = tpu.transpose %slice3A_101, [1, 0] : vector<128x128xf32> -> vector<128x128xf32>
    %reduce_sum3A_103 = arith.constant dense<0.000000e+00> : vector<128xf32>
    %reduce_sum3A_104 = vector.multi_reduction <add>, %transpose3A_102, %reduce_sum3A_103 [0] : vector<128x128xf32> to vector<128xf32>
    %slice3A_105 = vector.extract_strided_slice %sqrt3A {offsets = [768, 0], sizes = [128, 128], strides = [1, 1]} : vector<2048x128xf32> to vector<128x128xf32>
    %transpose3A_106 = tpu.transpose %slice3A_105, [1, 0] : vector<128x128xf32> -> vector<128x128xf32>
    %reduce_sum3A_107 = arith.constant dense<0.000000e+00> : vector<128xf32>
    %reduce_sum3A_108 = vector.multi_reduction <add>, %transpose3A_106, %reduce_sum3A_107 [0] : vector<128x128xf32> to vector<128xf32>
    %slice3A_109 = vector.extract_strided_slice %sqrt3A {offsets = [896, 0], sizes = [128, 128], strides = [1, 1]} : vector<2048x128xf32> to vector<128x128xf32>
    %transpose3A_110 = tpu.transpose %slice3A_109, [1, 0] : vector<128x128xf32> -> vector<128x128xf32>
    %reduce_sum3A_111 = arith.constant dense<0.000000e+00> : vector<128xf32>
    %reduce_sum3A_112 = vector.multi_reduction <add>, %transpose3A_110, %reduce_sum3A_111 [0] : vector<128x128xf32> to vector<128xf32>
    %slice3A_113 = vector.extract_strided_slice %sqrt3A {offsets = [1024, 0], sizes = [128, 128], strides = [1, 1]} : vector<2048x128xf32> to vector<128x128xf32>
    %transpose3A_114 = tpu.transpose %slice3A_113, [1, 0] : vector<128x128xf32> -> vector<128x128xf32>
    %reduce_sum3A_115 = arith.constant dense<0.000000e+00> : vector<128xf32>
    %reduce_sum3A_116 = vector.multi_reduction <add>, %transpose3A_114, %reduce_sum3A_115 [0] : vector<128x128xf32> to vector<128xf32>
    %slice3A_117 = vector.extract_strided_slice %sqrt3A {offsets = [1152, 0], sizes = [128, 128], strides = [1, 1]} : vector<2048x128xf32> to vector<128x128xf32>
    %transpose3A_118 = tpu.transpose %slice3A_117, [1, 0] : vector<128x128xf32> -> vector<128x128xf32>
    %reduce_sum3A_119 = arith.constant dense<0.000000e+00> : vector<128xf32>
    %reduce_sum3A_120 = vector.multi_reduction <add>, %transpose3A_118, %reduce_sum3A_119 [0] : vector<128x128xf32> to vector<128xf32>
    %slice3A_121 = vector.extract_strided_slice %sqrt3A {offsets = [1280, 0], sizes = [128, 128], strides = [1, 1]} : vector<2048x128xf32> to vector<128x128xf32>
    %transpose3A_122 = tpu.transpose %slice3A_121, [1, 0] : vector<128x128xf32> -> vector<128x128xf32>
    %reduce_sum3A_123 = arith.constant dense<0.000000e+00> : vector<128xf32>
    %reduce_sum3A_124 = vector.multi_reduction <add>, %transpose3A_122, %reduce_sum3A_123 [0] : vector<128x128xf32> to vector<128xf32>
    %slice3A_125 = vector.extract_strided_slice %sqrt3A {offsets = [1408, 0], sizes = [128, 128], strides = [1, 1]} : vector<2048x128xf32> to vector<128x128xf32>
    %transpose3A_126 = tpu.transpose %slice3A_125, [1, 0] : vector<128x128xf32> -> vector<128x128xf32>
    %reduce_sum3A_127 = arith.constant dense<0.000000e+00> : vector<128xf32>
    %reduce_sum3A_128 = vector.multi_reduction <add>, %transpose3A_126, %reduce_sum3A_127 [0] : vector<128x128xf32> to vector<128xf32>
    %slice3A_129 = vector.extract_strided_slice %sqrt3A {offsets = [1536, 0], sizes = [128, 128], strides = [1, 1]} : vector<2048x128xf32> to vector<128x128xf32>
    %transpose3A_130 = tpu.transpose %slice3A_129, [1, 0] : vector<128x128xf32> -> vector<128x128xf32>
    %reduce_sum3A_131 = arith.constant dense<0.000000e+00> : vector<128xf32>
    %reduce_sum3A_132 = vector.multi_reduction <add>, %transpose3A_130, %reduce_sum3A_131 [0] : vector<128x128xf32> to vector<128xf32>
    %slice3A_133 = vector.extract_strided_slice %sqrt3A {offsets = [1664, 0], sizes = [128, 128], strides = [1, 1]} : vector<2048x128xf32> to vector<128x128xf32>
    %transpose3A_134 = tpu.transpose %slice3A_133, [1, 0] : vector<128x128xf32> -> vector<128x128xf32>
    %reduce_sum3A_135 = arith.constant dense<0.000000e+00> : vector<128xf32>
    %reduce_sum3A_136 = vector.multi_reduction <add>, %transpose3A_134, %reduce_sum3A_135 [0] : vector<128x128xf32> to vector<128xf32>
    %slice3A_137 = vector.extract_strided_slice %sqrt3A {offsets = [1792, 0], sizes = [128, 128], strides = [1, 1]} : vector<2048x128xf32> to vector<128x128xf32>
    %transpose3A_138 = tpu.transpose %slice3A_137, [1, 0] : vector<128x128xf32> -> vector<128x128xf32>
    %reduce_sum3A_139 = arith.constant dense<0.000000e+00> : vector<128xf32>
    %reduce_sum3A_140 = vector.multi_reduction <add>, %transpose3A_138, %reduce_sum3A_139 [0] : vector<128x128xf32> to vector<128xf32>
    %slice3A_141 = vector.extract_strided_slice %sqrt3A {offsets = [1920, 0], sizes = [128, 128], strides = [1, 1]} : vector<2048x128xf32> to vector<128x128xf32>
    %transpose3A_142 = tpu.transpose %slice3A_141, [1, 0] : vector<128x128xf32> -> vector<128x128xf32>
    %reduce_sum3A_143 = arith.constant dense<0.000000e+00> : vector<128xf32>
    %reduce_sum3A_144 = vector.multi_reduction <add>, %transpose3A_142, %reduce_sum3A_143 [0] : vector<128x128xf32> to vector<128xf32>
    %concatenate3A = tpu.concatenate %reduce_sum3A_84, %reduce_sum3A_88, %reduce_sum3A_92, %reduce_sum3A_96, %reduce_sum3A_100, %reduce_sum3A_104, %reduce_sum3A_108, %reduce_sum3A_112, %reduce_sum3A_116, %reduce_sum3A_120, %reduce_sum3A_124, %reduce_sum3A_128, %reduce_sum3A_132, %reduce_sum3A_136, %reduce_sum3A_140, %reduce_sum3A_144 in 0 : vector<128xf32>, vector<128xf32>, vector<128xf32>, vector<128xf32>, vector<128xf32>, vector<128xf32>, vector<128xf32>, vector<128xf32>, vector<128xf32>, vector<128xf32>, vector<128xf32>, vector<128xf32>, vector<128xf32>, vector<128xf32>, vector<128xf32>, vector<128xf32> -> vector<2048xf32>
    %neg3A = arith.constant 0.000000e+00 : f32
    %neg3A_145 = vector.broadcast %neg3A : f32 to vector<2048xf32>
    %neg3A_146 = arith.subf %neg3A_145, %concatenate3A : vector<2048xf32>
    %swap3A = arith.constant 0 : index
    %swap3A_147 = vector.load %arg6[%swap3A] : memref<2048xf32, #tpu.memory_space<vmem>>, vector<2048xf32>
    tpu.vector_store %arg6[%swap3A], %neg3A_146 {strides = array<i32>} : memref<2048xf32, #tpu.memory_space<vmem>>, vector<2048xf32>,
    %get3A_148 = arith.constant 0 : index
    %get3A_149 = arith.constant 0 : index
    %get3A_150 = vector.load %arg3[%get3A_148, %get3A_149] : memref<2048x256xf32, #tpu.memory_space<vmem>>, vector<2048x256xf32>
    %get3A_151 = arith.constant 0 : index
    %get3A_152 = arith.constant 0 : index
    %get3A_153 = vector.load %arg4[%get3A_151, %get3A_152] : memref<2048x256xf32, #tpu.memory_space<vmem>>, vector<2048x256xf32>
    %sub3A_154 = arith.constant 3.14159274 : f32
    %sub3A_155 = vector.broadcast %sub3A_154 : f32 to vector<2048x128xf32>
    %sub3A_156 = arith.subf %mul3A_11, %sub3A_155 : vector<2048x128xf32>
    %mul3A_157 = arith.mulf %sub3A_156, %sub3A_156 : vector<2048x128xf32>
    %mul3A_158 = arith.constant -2.06959694E-8 : f32
    %mul3A_159 = vector.broadcast %mul3A_158 : f32 to vector<2048x128xf32>
    %mul3A_160 = arith.mulf %mul3A_157, %mul3A_159 : vector<2048x128xf32>
    %add3A_161 = arith.constant 2.70832606E-6 : f32
    %add3A_162 = vector.broadcast %add3A_161 : f32 to vector<2048x128xf32>
    %add3A_163 = arith.addf %add3A_162, %mul3A_160 : vector<2048x128xf32>
    %mul3A_164 = arith.mulf %mul3A_157, %add3A_163 : vector<2048x128xf32>
    %add3A_165 = arith.constant -1.98166919E-4 : f32
    %add3A_166 = vector.broadcast %add3A_165 : f32 to vector<2048x128xf32>
    %add3A_167 = arith.addf %add3A_166, %mul3A_164 : vector<2048x128xf32>
    %mul3A_168 = arith.mulf %mul3A_157, %add3A_167 : vector<2048x128xf32>
    %add3A_169 = arith.constant 0.00833273213 : f32
    %add3A_170 = vector.broadcast %add3A_169 : f32 to vector<2048x128xf32>
    %add3A_171 = arith.addf %add3A_170, %mul3A_168 : vector<2048x128xf32>
    %mul3A_172 = arith.mulf %mul3A_157, %add3A_171 : vector<2048x128xf32>
    %add3A_173 = arith.constant -0.166666076 : f32
    %add3A_174 = vector.broadcast %add3A_173 : f32 to vector<2048x128xf32>
    %add3A_175 = arith.addf %add3A_174, %mul3A_172 : vector<2048x128xf32>
    %mul3A_176 = arith.mulf %mul3A_157, %add3A_175 : vector<2048x128xf32>
    %add3A_177 = arith.constant 0.99999988 : f32
    %add3A_178 = vector.broadcast %add3A_177 : f32 to vector<2048x128xf32>
    %add3A_179 = arith.addf %add3A_178, %mul3A_176 : vector<2048x128xf32>
    %mul3A_180 = arith.mulf %sub3A_156, %add3A_179 : vector<2048x128xf32>
    %mul3A_181 = arith.constant 1.7243752E-9 : f32
    %mul3A_182 = vector.broadcast %mul3A_181 : f32 to vector<2048x128xf32>
    %mul3A_183 = arith.mulf %mul3A_157, %mul3A_182 : vector<2048x128xf32>
    %add3A_184 = arith.constant -2.70754498E-7 : f32
    %add3A_185 = vector.broadcast %add3A_184 : f32 to vector<2048x128xf32>
    %add3A_186 = arith.addf %add3A_185, %mul3A_183 : vector<2048x128xf32>
    %mul3A_187 = arith.mulf %mul3A_157, %add3A_186 : vector<2048x128xf32>
    %add3A_188 = arith.constant 2.47690532E-5 : f32
    %add3A_189 = vector.broadcast %add3A_188 : f32 to vector<2048x128xf32>
    %add3A_190 = arith.addf %add3A_189, %mul3A_187 : vector<2048x128xf32>
    %mul3A_191 = arith.mulf %mul3A_157, %add3A_190 : vector<2048x128xf32>
    %add3A_192 = arith.constant -0.00138877321 : f32
    %add3A_193 = vector.broadcast %add3A_192 : f32 to vector<2048x128xf32>
    %add3A_194 = arith.addf %add3A_193, %mul3A_191 : vector<2048x128xf32>
    %mul3A_195 = arith.mulf %mul3A_157, %add3A_194 : vector<2048x128xf32>
    %add3A_196 = arith.constant 0.041666463 : f32
    %add3A_197 = vector.broadcast %add3A_196 : f32 to vector<2048x128xf32>
    %add3A_198 = arith.addf %add3A_197, %mul3A_195 : vector<2048x128xf32>
    %mul3A_199 = arith.mulf %mul3A_157, %add3A_198 : vector<2048x128xf32>
    %add3A_200 = arith.constant -0.499999851 : f32
    %add3A_201 = vector.broadcast %add3A_200 : f32 to vector<2048x128xf32>
    %add3A_202 = arith.addf %add3A_201, %mul3A_199 : vector<2048x128xf32>
    %mul3A_203 = arith.mulf %mul3A_157, %add3A_202 : vector<2048x128xf32>
    %add3A_204 = arith.constant 1.000000e+00 : f32
    %add3A_205 = vector.broadcast %add3A_204 : f32 to vector<2048x128xf32>
    %add3A_206 = arith.addf %add3A_205, %mul3A_203 : vector<2048x128xf32>
    %slice3A_207 = vector.extract_strided_slice %get3A_150 {offsets = [0, 0], sizes = [2048, 128], strides = [1, 1]} : vector<2048x256xf32> to vector<2048x128xf32>
    %slice3A_208 = vector.extract_strided_slice %get3A_150 {offsets = [0, 128], sizes = [2048, 128], strides = [1, 1]} : vector<2048x256xf32> to vector<2048x128xf32>
    %mul3A_209 = arith.mulf %slice3A_208, %mul3A_180 : vector<2048x128xf32>
    %mul3A_210 = arith.mulf %slice3A_207, %add3A_206 : vector<2048x128xf32>
    %sub3A_211 = arith.subf %mul3A_209, %mul3A_210 : vector<2048x128xf32>
    %slice3A_212 = vector.extract_strided_slice %get3A_153 {offsets = [0, 0], sizes = [2048, 128], strides = [1, 1]} : vector<2048x256xf32> to vector<2048x128xf32>
    %sub3A_213 = arith.subf %sub3A_211, %slice3A_212 : vector<2048x128xf32>
    %mul3A_214 = arith.mulf %slice3A_207, %mul3A_180 : vector<2048x128xf32>
    %mul3A_215 = arith.mulf %slice3A_208, %add3A_206 : vector<2048x128xf32>
    %add3A_216 = arith.addf %mul3A_214, %mul3A_215 : vector<2048x128xf32>
    %slice3A_217 = vector.extract_strided_slice %get3A_153 {offsets = [0, 128], sizes = [2048, 128], strides = [1, 1]} : vector<2048x256xf32> to vector<2048x128xf32>
    %add3A_218 = arith.addf %add3A_216, %slice3A_217 : vector<2048x128xf32>
    %mul3A_219 = arith.mulf %sub3A_213, %sub3A_213 : vector<2048x128xf32>
    %mul3A_220 = arith.mulf %add3A_218, %add3A_218 : vector<2048x128xf32>
    %add3A_221 = arith.addf %mul3A_219, %mul3A_220 : vector<2048x128xf32>
    %sqrt3A_222 = math.sqrt %add3A_221 : vector<2048x128xf32>
    %slice3A_223 = vector.extract_strided_slice %sqrt3A_222 {offsets = [0, 0], sizes = [128, 128], strides = [1, 1]} : vector<2048x128xf32> to vector<128x128xf32>
    %transpose3A_224 = tpu.transpose %slice3A_223, [1, 0] : vector<128x128xf32> -> vector<128x128xf32>
    %reduce_sum3A_225 = arith.constant dense<0.000000e+00> : vector<128xf32>
    %reduce_sum3A_226 = vector.multi_reduction <add>, %transpose3A_224, %reduce_sum3A_225 [0] : vector<128x128xf32> to vector<128xf32>
    %slice3A_227 = vector.extract_strided_slice %sqrt3A_222 {offsets = [128, 0], sizes = [128, 128], strides = [1, 1]} : vector<2048x128xf32> to vector<128x128xf32>
    %transpose3A_228 = tpu.transpose %slice3A_227, [1, 0] : vector<128x128xf32> -> vector<128x128xf32>
    %reduce_sum3A_229 = arith.constant dense<0.000000e+00> : vector<128xf32>
    %reduce_sum3A_230 = vector.multi_reduction <add>, %transpose3A_228, %reduce_sum3A_229 [0] : vector<128x128xf32> to vector<128xf32>
    %slice3A_231 = vector.extract_strided_slice %sqrt3A_222 {offsets = [256, 0], sizes = [128, 128], strides = [1, 1]} : vector<2048x128xf32> to vector<128x128xf32>
    %transpose3A_232 = tpu.transpose %slice3A_231, [1, 0] : vector<128x128xf32> -> vector<128x128xf32>
    %reduce_sum3A_233 = arith.constant dense<0.000000e+00> : vector<128xf32>
    %reduce_sum3A_234 = vector.multi_reduction <add>, %transpose3A_232, %reduce_sum3A_233 [0] : vector<128x128xf32> to vector<128xf32>
    %slice3A_235 = vector.extract_strided_slice %sqrt3A_222 {offsets = [384, 0], sizes = [128, 128], strides = [1, 1]} : vector<2048x128xf32> to vector<128x128xf32>
    %transpose3A_236 = tpu.transpose %slice3A_235, [1, 0] : vector<128x128xf32> -> vector<128x128xf32>
    %reduce_sum3A_237 = arith.constant dense<0.000000e+00> : vector<128xf32>
    %reduce_sum3A_238 = vector.multi_reduction <add>, %transpose3A_236, %reduce_sum3A_237 [0] : vector<128x128xf32> to vector<128xf32>
    %slice3A_239 = vector.extract_strided_slice %sqrt3A_222 {offsets = [512, 0], sizes = [128, 128], strides = [1, 1]} : vector<2048x128xf32> to vector<128x128xf32>
    %transpose3A_240 = tpu.transpose %slice3A_239, [1, 0] : vector<128x128xf32> -> vector<128x128xf32>
    %reduce_sum3A_241 = arith.constant dense<0.000000e+00> : vector<128xf32>
    %reduce_sum3A_242 = vector.multi_reduction <add>, %transpose3A_240, %reduce_sum3A_241 [0] : vector<128x128xf32> to vector<128xf32>
    %slice3A_243 = vector.extract_strided_slice %sqrt3A_222 {offsets = [640, 0], sizes = [128, 128], strides = [1, 1]} : vector<2048x128xf32> to vector<128x128xf32>
    %transpose3A_244 = tpu.transpose %slice3A_243, [1, 0] : vector<128x128xf32> -> vector<128x128xf32>
    %reduce_sum3A_245 = arith.constant dense<0.000000e+00> : vector<128xf32>
    %reduce_sum3A_246 = vector.multi_reduction <add>, %transpose3A_244, %reduce_sum3A_245 [0] : vector<128x128xf32> to vector<128xf32>
    %slice3A_247 = vector.extract_strided_slice %sqrt3A_222 {offsets = [768, 0], sizes = [128, 128], strides = [1, 1]} : vector<2048x128xf32> to vector<128x128xf32>
    %transpose3A_248 = tpu.transpose %slice3A_247, [1, 0] : vector<128x128xf32> -> vector<128x128xf32>
    %reduce_sum3A_249 = arith.constant dense<0.000000e+00> : vector<128xf32>
    %reduce_sum3A_250 = vector.multi_reduction <add>, %transpose3A_248, %reduce_sum3A_249 [0] : vector<128x128xf32> to vector<128xf32>
    %slice3A_251 = vector.extract_strided_slice %sqrt3A_222 {offsets = [896, 0], sizes = [128, 128], strides = [1, 1]} : vector<2048x128xf32> to vector<128x128xf32>
    %transpose3A_252 = tpu.transpose %slice3A_251, [1, 0] : vector<128x128xf32> -> vector<128x128xf32>
    %reduce_sum3A_253 = arith.constant dense<0.000000e+00> : vector<128xf32>
    %reduce_sum3A_254 = vector.multi_reduction <add>, %transpose3A_252, %reduce_sum3A_253 [0] : vector<128x128xf32> to vector<128xf32>
    %slice3A_255 = vector.extract_strided_slice %sqrt3A_222 {offsets = [1024, 0], sizes = [128, 128], strides = [1, 1]} : vector<2048x128xf32> to vector<128x128xf32>
    %transpose3A_256 = tpu.transpose %slice3A_255, [1, 0] : vector<128x128xf32> -> vector<128x128xf32>
    %reduce_sum3A_257 = arith.constant dense<0.000000e+00> : vector<128xf32>
    %reduce_sum3A_258 = vector.multi_reduction <add>, %transpose3A_256, %reduce_sum3A_257 [0] : vector<128x128xf32> to vector<128xf32>
    %slice3A_259 = vector.extract_strided_slice %sqrt3A_222 {offsets = [1152, 0], sizes = [128, 128], strides = [1, 1]} : vector<2048x128xf32> to vector<128x128xf32>
    %transpose3A_260 = tpu.transpose %slice3A_259, [1, 0] : vector<128x128xf32> -> vector<128x128xf32>
    %reduce_sum3A_261 = arith.constant dense<0.000000e+00> : vector<128xf32>
    %reduce_sum3A_262 = vector.multi_reduction <add>, %transpose3A_260, %reduce_sum3A_261 [0] : vector<128x128xf32> to vector<128xf32>
    %slice3A_263 = vector.extract_strided_slice %sqrt3A_222 {offsets = [1280, 0], sizes = [128, 128], strides = [1, 1]} : vector<2048x128xf32> to vector<128x128xf32>
    %transpose3A_264 = tpu.transpose %slice3A_263, [1, 0] : vector<128x128xf32> -> vector<128x128xf32>
    %reduce_sum3A_265 = arith.constant dense<0.000000e+00> : vector<128xf32>
    %reduce_sum3A_266 = vector.multi_reduction <add>, %transpose3A_264, %reduce_sum3A_265 [0] : vector<128x128xf32> to vector<128xf32>
    %slice3A_267 = vector.extract_strided_slice %sqrt3A_222 {offsets = [1408, 0], sizes = [128, 128], strides = [1, 1]} : vector<2048x128xf32> to vector<128x128xf32>
    %transpose3A_268 = tpu.transpose %slice3A_267, [1, 0] : vector<128x128xf32> -> vector<128x128xf32>
    %reduce_sum3A_269 = arith.constant dense<0.000000e+00> : vector<128xf32>
    %reduce_sum3A_270 = vector.multi_reduction <add>, %transpose3A_268, %reduce_sum3A_269 [0] : vector<128x128xf32> to vector<128xf32>
    %slice3A_271 = vector.extract_strided_slice %sqrt3A_222 {offsets = [1536, 0], sizes = [128, 128], strides = [1, 1]} : vector<2048x128xf32> to vector<128x128xf32>
    %transpose3A_272 = tpu.transpose %slice3A_271, [1, 0] : vector<128x128xf32> -> vector<128x128xf32>
    %reduce_sum3A_273 = arith.constant dense<0.000000e+00> : vector<128xf32>
    %reduce_sum3A_274 = vector.multi_reduction <add>, %transpose3A_272, %reduce_sum3A_273 [0] : vector<128x128xf32> to vector<128xf32>
    %slice3A_275 = vector.extract_strided_slice %sqrt3A_222 {offsets = [1664, 0], sizes = [128, 128], strides = [1, 1]} : vector<2048x128xf32> to vector<128x128xf32>
    %transpose3A_276 = tpu.transpose %slice3A_275, [1, 0] : vector<128x128xf32> -> vector<128x128xf32>
    %reduce_sum3A_277 = arith.constant dense<0.000000e+00> : vector<128xf32>
    %reduce_sum3A_278 = vector.multi_reduction <add>, %transpose3A_276, %reduce_sum3A_277 [0] : vector<128x128xf32> to vector<128xf32>
    %slice3A_279 = vector.extract_strided_slice %sqrt3A_222 {offsets = [1792, 0], sizes = [128, 128], strides = [1, 1]} : vector<2048x128xf32> to vector<128x128xf32>
    %transpose3A_280 = tpu.transpose %slice3A_279, [1, 0] : vector<128x128xf32> -> vector<128x128xf32>
    %reduce_sum3A_281 = arith.constant dense<0.000000e+00> : vector<128xf32>
    %reduce_sum3A_282 = vector.multi_reduction <add>, %transpose3A_280, %reduce_sum3A_281 [0] : vector<128x128xf32> to vector<128xf32>
    %slice3A_283 = vector.extract_strided_slice %sqrt3A_222 {offsets = [1920, 0], sizes = [128, 128], strides = [1, 1]} : vector<2048x128xf32> to vector<128x128xf32>
    %transpose3A_284 = tpu.transpose %slice3A_283, [1, 0] : vector<128x128xf32> -> vector<128x128xf32>
    %reduce_sum3A_285 = arith.constant dense<0.000000e+00> : vector<128xf32>
    %reduce_sum3A_286 = vector.multi_reduction <add>, %transpose3A_284, %reduce_sum3A_285 [0] : vector<128x128xf32> to vector<128xf32>
    %concatenate3A_287 = tpu.concatenate %reduce_sum3A_226, %reduce_sum3A_230, %reduce_sum3A_234, %reduce_sum3A_238, %reduce_sum3A_242, %reduce_sum3A_246, %reduce_sum3A_250, %reduce_sum3A_254, %reduce_sum3A_258, %reduce_sum3A_262, %reduce_sum3A_266, %reduce_sum3A_270, %reduce_sum3A_274, %reduce_sum3A_278, %reduce_sum3A_282, %reduce_sum3A_286 in 0 : vector<128xf32>, vector<128xf32>, vector<128xf32>, vector<128xf32>, vector<128xf32>, vector<128xf32>, vector<128xf32>, vector<128xf32>, vector<128xf32>, vector<128xf32>, vector<128xf32>, vector<128xf32>, vector<128xf32>, vector<128xf32>, vector<128xf32>, vector<128xf32> -> vector<2048xf32>
    %neg3A_288 = arith.constant 0.000000e+00 : f32
    %neg3A_289 = vector.broadcast %neg3A_288 : f32 to vector<2048xf32>
    %neg3A_290 = arith.subf %neg3A_289, %concatenate3A_287 : vector<2048xf32>
    %swap3A_291 = arith.constant 0 : index
    %swap3A_292 = vector.load %arg7[%swap3A_291] : memref<2048xf32, #tpu.memory_space<vmem>>, vector<2048xf32>
    tpu.vector_store %arg7[%swap3A_291], %neg3A_290 {strides = array<i32>} : memref<2048xf32, #tpu.memory_space<vmem>>, vector<2048xf32>,
    return
  }
  func.func @transform_0(%arg0: i32) -> (i32, i32) {
    %c0_i32 = arith.constant 0 : i32
    %c0_i32_0 = arith.constant 0 : i32
    return %arg0, %c0_i32 : i32, i32
  }
  func.func @transform_1(%arg0: i32) -> (i32, i32) {
    %c0_i32 = arith.constant 0 : i32
    %c0_i32_0 = arith.constant 0 : i32
    return %arg0, %c0_i32 : i32, i32
  }
  func.func @transform_2(%arg0: i32) -> (i32, i32) {
    %add3A = arith.constant 4 : i32
    %add3A_0 = arith.addi %arg0, %add3A : i32
    %c0_i32 = arith.constant 0 : i32
    %c0_i32_1 = arith.constant 0 : i32
    return %add3A_0, %c0_i32 : i32, i32
  }
  func.func @transform_3(%arg0: i32) -> (i32, i32) {
    %add3A = arith.constant 4 : i32
    %add3A_0 = arith.addi %arg0, %add3A : i32
    %c0_i32 = arith.constant 0 : i32
    %c0_i32_1 = arith.constant 0 : i32
    return %add3A_0, %c0_i32 : i32, i32
  }
  func.func @transform_4(%arg0: i32) -> (i32, i32) {
    %c0_i32 = arith.constant 0 : i32
    %c0_i32_0 = arith.constant 0 : i32
    return %arg0, %c0_i32 : i32, i32
  }
  func.func @transform_5(%arg0: i32) -> i32 {
    %c0_i32 = arith.constant 0 : i32
    return %arg0 : i32
  }
  func.func @transform_6(%arg0: i32) -> i32 {
    %c0_i32 = arith.constant 0 : i32
    return %arg0 : i32
  }
}

</mosaic_0001>

<sc_bundles>
// kernel: kernel.4.cloned.1.call-start
scs
__scs_entry_jumppad:
0x0: {  	(pc) =	sbr.rel $0x88, $3  }
0x1: {  	(tag) =	ssettag $0x0;
	lr =	simm.s32 $0x1  }
0x2: {  	[smem:$0x3F9D] =	sst lr;
	_ =	strace $0xD0000000  }
0x3: {  	_ = 	snop  }
0x4: {  	_ = 	snop  }
0x5: {  	_ = 	snop  }
0x6: {  	_ = 	snop  }
0x7: {  	_ = 	snop  }
__scs_overlays_trampoline_lowered:
0x8: {  	[smem:$0x3FAC] =	sst s0  }
0x9: {  	[smem:$0x3FAD] =	sst s1  }
0xa: {  	[smem:$0x3FAE] =	sst s2  }
0xb: {  	[smem:$0x3FAF] =	sst s3  }
0xc: {  	[smem:$0x3FB0] =	sst s4  }
0xd: {  	[smem:$0x3FB1] =	sst s5  }
0xe: {  	[smem:$0x3FB2] =	sst s6  }
0xf: {  	[smem:$0x3FB3] =	sst s7  }
0x10: {  	[smem:$0x3FB4] =	sst s8  }
0x11: {  	[smem:$0x3FB5] =	sst s9;
	s0 =	simm.s32 @!p0 $0x0  }
0x12: {  	s1 =	sld [smem:$0x3F9B];
	s0 =	simm.s32 @p0 $0x1  }
0x13: {  	[smem:$0x3FB6] =	sst s0;
	s0 =	simm.s32 @!p1 $0x0  }
0x14: {  	s2 =	sld [smem:$0x3F9A];
	s0 =	simm.s32 @p1 $0x1  }
0x15: {  	[smem:$0x3FB7] =	sst s0;
	s0 =	simm.s32 @!p2 $0x0  }
0x16: {  	s3 =	sld [smem:$0x3FDB];
	s0 =	simm.s32 @p2 $0x1  }
0x17: {  	s4 =	simm.s32 $0x1BF5;
	[smem:$0x3FB9] =	sst s0  }
0x18: {  	s0 =	sld [smem:$0x3F9C];
	_ =	swait.ge [sflag:s4], $0x0  }
0x19: {  	s7 =	sld [smem:$0x3F9D]  }
0x1a: {  	s8 =	sadd.s32 $0xFFFFE003, lr  }
0x1b: {  	s9 =	sadd.s32 $0xFFFFFEF7, lr;
	s5 =	simm.s32 $0xFFFFFFFF;
	p2 =	slt.u32 s8, $0xFFFFF086  }
0x1c: {  	p1 =	slt.u32 s9, $0xF7A;
	s5 =	simm.s32 @!p2 $0x0  }
0x1d: {  	s5 =	simm.s32 @p1 $0x1;
	p0 =	seq.s32 s7, s2  }
0x1e: {  	s7 =	smul.u32 @!p0 $0xF7A, s2;
	p2 =	seq.s32 @!p0 s5, $0x0  }
0x1f: {  	s9 =	smul.u32 $0xF7A, s1;
	s8 =	simm.s32 @!p0 $0x1BF5;
	p2 =	por !p2, p0  }
0x20: {  	[sflag:s8] =	ssyncset.s32 @!p0 $0xFFFFF086;
	s6 =	sadd.s32 @!p0 s3, s7;
	s7 =	simm.s32 @!p0 $0x108  }
0x21: {  	s3 =	sadd.s32 s3, s9;
	s6 =	sadd.s32 @!p0 $0x88, s6;
	s7 =	simm.s32 @p2 $0x1082  }
0x22: {  	[simem:s7], [sflag:s8] =	dma.local @!p0 [hbm:s6], $0xF7A  }
0x23: {  	s9 =	sor.u32 $0xD0000000, s2;
	s6 =	simm.s32 $0x108;
	_ =	swait.ge @!p0 [sflag:s8], $0x0  }
0x24: {  	s3 =	sadd.s32 $0x88, s3;
	s6 =	simm.s32 @!p1 $0x1082;
	[sflag:s4] =	ssyncset.s32 $0xFFFFF086  }
0x25: {  	[simem:s6], [sflag:s4] =	dma.local [hbm:s3], $0xF7A  }
0x26: {  	[smem:$0x3F9D] =	sst s1;
	(tag) =	ssettag s2;
	_ =	strace s9  }
0x27: {  	s1 =	sld [smem:$0x3FAD]  }
0x28: {  	s2 =	sld [smem:$0x3FAE]  }
0x29: {  	s4 =	sld [smem:$0x3FB0]  }
0x2a: {  	p0 =	seq.s32 s5, $0x0;
	s5 =	sld [smem:$0x3FB1]  }
0x2b: {  	s6 =	sld [smem:$0x3FB2]  }
0x2c: {  	s7 =	sld [smem:$0x3FB3]  }
0x2d: {  	s3 =	simm.s32 $0x108;
	s8 =	sld [smem:$0x3FB4]  }
0x2e: {  	s3 =	simm.s32 @!p0 $0x1082;
	s9 =	sld [smem:$0x3FB5]  }
0x2f: {  	lr =	sadd.s32 s0, s3;
	s0 =	sld [smem:$0x3FAC]  }
0x30: {  	s3 =	sld [smem:$0x3FAF]  }
0x31: {  	[smem:$0x3FB8] =	sst s10  }
0x32: {  	s10 =	sld [smem:$0x3FB6];
	_ =	sdelay $0x3  }
0x33: {  	p0 =	seq.s32 s10, $0x1;
	s10 =	sld [smem:$0x3FB8];
	_ =	sdelay $0x3  }
0x34: {  	[smem:$0x3FB8] =	sst s10  }
0x35: {  	s10 =	sld [smem:$0x3FB7];
	_ =	sdelay $0x3  }
0x36: {  	p1 =	seq.s32 s10, $0x1;
	s10 =	sld [smem:$0x3FB8];
	_ =	sdelay $0x3  }
0x37: {  	[smem:$0x3FB8] =	sst s10  }
0x38: {  	s10 =	sld [smem:$0x3FB9]  }
0x39: {  	_ = 	snop;
	(pc) =	sbr.ind lr, $3  }
0x3a: {  	_ = 	snop  }
0x3b: {  	_ = 	snop  }
0x3c: {  	p2 =	seq.s32 s10, $0x1;
	s10 =	sld [smem:$0x3FB8]  }
0x3d: {  	_ =	shalt  }
0x3e: {  	_ =	shalt  }
0x3f: {  	_ =	shalt  }
0x40: {  	_ =	shalt  }
0x41: {  	_ =	shalt  }
0x42: {  	_ =	shalt  }
0x43: {  	_ =	shalt  }
0x44: {  	_ =	shalt  }
0x45: {  	_ =	shalt  }
0x46: {  	_ =	shalt  }
0x47: {  	_ =	shalt  }
0x48: {  	_ =	shalt  }
0x49: {  	_ =	shalt  }
0x4a: {  	_ =	shalt  }
0x4b: {  	_ =	shalt  }
0x4c: {  	_ =	shalt  }
0x4d: {  	_ =	shalt  }
0x4e: {  	_ =	shalt  }
0x4f: {  	_ =	shalt  }
0x50: {  	_ =	shalt  }
0x51: {  	_ =	shalt  }
0x52: {  	_ =	shalt  }
0x53: {  	_ =	shalt  }
0x54: {  	_ =	shalt  }
0x55: {  	_ =	shalt  }
0x56: {  	_ =	shalt  }
0x57: {  	_ =	shalt  }
0x58: {  	_ =	shalt  }
0x59: {  	_ =	shalt  }
0x5a: {  	_ =	shalt  }
0x5b: {  	_ =	shalt  }
0x5c: {  	_ =	shalt  }
0x5d: {  	_ =	shalt  }
0x5e: {  	_ =	shalt  }
0x5f: {  	_ =	shalt  }
0x60: {  	_ =	shalt  }
0x61: {  	_ =	shalt  }
0x62: {  	_ =	shalt  }
0x63: {  	_ =	shalt  }
0x64: {  	_ =	shalt  }
0x65: {  	_ =	shalt  }
0x66: {  	_ =	shalt  }
0x67: {  	_ =	shalt  }
0x68: {  	_ =	shalt  }
0x69: {  	_ =	shalt  }
0x6a: {  	_ =	shalt  }
0x6b: {  	_ =	shalt  }
0x6c: {  	_ =	shalt  }
0x6d: {  	_ =	shalt  }
0x6e: {  	_ =	shalt  }
0x6f: {  	_ =	shalt  }
0x70: {  	_ =	shalt  }
0x71: {  	_ =	shalt  }
0x72: {  	_ =	shalt  }
0x73: {  	_ =	shalt  }
0x74: {  	_ =	shalt  }
0x75: {  	_ =	shalt  }
0x76: {  	_ =	shalt  }
0x77: {  	_ =	shalt  }
0x78: {  	_ =	shalt  }
0x79: {  	_ =	shalt  }
0x7a: {  	_ =	shalt  }
0x7b: {  	_ =	shalt  }
0x7c: {  	_ =	shalt  }
0x7d: {  	_ =	shalt  }
0x7e: {  	_ =	shalt  }
0x7f: {  	_ =	shalt  }
0x80: {  	_ =	shalt  }
0x81: {  	_ =	shalt  }
0x82: {  	_ =	shalt  }
0x83: {  	_ =	shalt  }
0x84: {  	_ =	shalt  }
0x85: {  	_ =	shalt  }
0x86: {  	_ =	shalt  }
0x87: {  	_ =	shalt  }
.Lfunc_end0:
.L_simem_size_0:
called_computation_lowered:
.L_overlay_start_0:
0x88: {  	s2 =	sld [smem:$0x3FD9]  }
0x89: {  	s3 =	sld [smem:$0x3FFE];
	_ =	sdelay $0x1  }
0x8a: {  	s1 =	srdreg.scid  }
0x8b: {  	s0 =	sand.u32 $0x1, s1  }
0x8c: {  	s17 =	sshll.u32 s0, $0xA;
	s2 =	sadd.s32 s3, s2  }
0x8d: {  	s2 =	sadd.s32 s2, s17  }
0x8e: {  	[smem:$0x3FC4] =	sst s2  }
0x8f: {  	_ = 	snop  }
0x90: {  	s2 =	sld [smem:$0x3FC7]  }
0x91: {  	s18 =	sld [smem:$0x3FC6];
	(tm) =	ssettm $0x1  }
0x92: {  	s4 =	sld [smem:$0x3FFB];
	_ =	sdelay $0x3  }
0x93: {  	_ =	strace s4  }
0x94: {  	s4 =	sld [smem:$0x3FFC];
	_ =	sdelay $0x3  }
0x95: {  	_ =	strace s4  }
0x96: {  	s4 =	sld [smem:$0x3FFD];
	_ =	sdelay $0x3  }
0x97: {  	_ =	strace s4  }
0x98: {  	_ =	strace $0x8FFFFFFF  }
0x99: {  	s19 =	sld [smem:$0x3FDB];
	_ =	sdelay $0x1  }
0x9a: {  	s5 =	simm.s32 $_scs_section_size  }
0x9b: {  	s6 =	simm.s32 $_size__tile_overlayer_lowered;
	s7 =	simm.s32 $_tile_overlayer_lowered  }
0x9c: {  	s22 =	simm.s32 $0x1BFF;
	s21 =	sshll.u32 s7, $0x1;
	s4 =	sadd.s32 s5, s19  }
0x9d: {  	s8 =	simm.s32 $0x0;
	s20 =	sshll.u32 s6, $0x1;
	s6 =	sadd.s32 s21, s4  }
0x9e: {  	[timem:s8], [sflag:s22] =	dma.local [hbm:s6], s20  }
0x9f: {  	_ =	swait.ge [sflag:s22], s20  }
0xa0: {  	s5 =	ssub.s32 $0x0, s20;
	[sflag:s22] =	ssyncset.done $0x0  }
0xa1: {  	[sflag:s22] =	ssyncadd.s32 s5;
	_ =	sdelay $0x1  }
0xa2: {  	s23 =	simm.s32 $0x1B8B  }
0xa3: {  	_ =	swait.ge [sflag:s23], $0x1  }
0xa4: {  	[sflag:s23] =	ssyncset.done $0x0  }
0xa5: {  	s25 =	simm.s32 $0x1B8E;
	s24 =	sld [smem:$0x3FFE];
	[sflag:s23] =	ssyncadd.s32 $0xFFFFFFFF  }
0xa6: {  	s26 =	simm.s32 $execute0_lowered;
	[smem:$0x3FD2] =	sst s25  }
0xa7: {  	s6 =	sshll.u32 s26, $0x1;
	_ =	strace $0x80000046;
	[dreg:$0x1] =	wrdreg $0xFFFFFFFF  }
0xa8: {  	s28 =	simm.s32 $_size_execute0_lowered;
	s4 =	sadd.s32 s4, s6;
	[dreg:$0x0] =	wrdreg $0x0  }
0xa9: {  	s6 =	sshll.u32 s28, $0x1;
	[dreg:$0x2] =	wrdreg s4  }
0xaa: {  	[dreg:$0x3] =	wrdreg s6  }
0xab: {  	[dreg:$0x4] =	wrdreg $0xC0  }
0xac: {  	_ =	task [dreg:s8], $0x5FFFF  }
0xad: {  	[dreg:$0x1] =	wrdreg $0xFFFFFFFF  }
0xae: {  	[dreg:$0x0] =	wrdreg $0x60  }
0xaf: {  	[dreg:$0x2] =	wrdreg s2  }
0xb0: {  	[dreg:$0x3] =	wrdreg s18  }
0xb1: {  	[dreg:$0x4] =	wrdreg s24  }
0xb2: {  	[dreg:$0x5] =	wrdreg $0x9  }
0xb3: {  	_ =	task.clear_ibuf [dreg:s8], $0x6FFFF;
	_ =	strace $0x90000046  }
0xb4: {  	s29 =	simm.s32 $0x9;
	_ =	strace $0x80000048  }
0xb5: {  	_ =	swait.ge [sflag:s29], $0x1  }
0xb6: {  	[sflag:s29] =	ssyncadd.s32 $0xFFFFFFFF  }
0xb7: {  	_ =	strace $0x90000048  }
0xb8: {  	_ =	sfence  }
0xb9: {  	s30 =	sld [smem:$0x0];
	_ =	sdelay $0x2  }
0xba: {  	s31 =	sshll.u32 s1, $0xD;
	s1 =	sshrl.u32 s1, $0x2  }
0xbb: {  	s3 =	sand.u32 $0x4000, s31;
	s1 =	sadd.s32 s1, s30  }
0xbc: {  	s0 =	sor.u32 s3, s0;
	s1 =	sshll.u32 s1, $0x11  }
0xbd: {  	s0 =	sor.u32 s1, s0  }
0xbe: {  	s0 =	sadd.s32 $0x8F2B, s0  }
0xbf: {  	[sflag:s0] =	ssyncadd.remote.s32 $0x1  }
0xc0: {  	_ =	sfence.sel $0xFFFF  }
0xc1: {  	[dreg:$0x0] =	wrdreg $0xFFFFFFFF;
	(pc) =	sbr.abs _section_cstart, $3  }
0xc2: {  	[dreg:$0x1] =	wrdreg $0xFFFFFFFF  }
0xc3: {  	_ =	task.clear_ibuf [dreg:s8], $0x2FFFF;
	_ =	strace $0x9FFFFFFF  }
0xc4: {  	(tm) =	ssettm $0x7FFFFFFF  }
0xc5: {  	_ =	shalt  }
tec
execute0_lowered:
.L_overlay_start_1:
0x0: {  	(tag) =	ssettag $0x1  }
0x1: {  	s1 =	rddreg [dreg:$0x0]  }
0x2: {  	s4 =	rddreg [dreg:$0x1]  }
0x3: {  	s5 =	rddreg [dreg:$0x2]  }
0x4: {  	s0 =	rddreg [dreg:$0x3]  }
0x5: {  	s6 =	srdreg.scid;
	s3 =	simm.s32 $0x0;
	s2 =	stileid.u32  }
0x6: {  	s10 =	simm.s32 $0x100;
	s11 =	simm.s32 $0x80;
	s12 =	simm.s32 $0x200  }
0x7: {  	s13 =	simm.s32 $0x8200;
	s14 =	simm.s32 $0x4200;
	s15 =	simm.s32 $0x180  }
0x8: {  	s16 =	simm.s32 $0xC200;
	s17 =	simm.s32 $0x1;
	s18 =	simm.s32 $0x10200  }
0x9: {  	s19 =	simm.s32 $0x14200;
	s20 =	simm.s32 $0x2;
	s6 =	sand.u32 $0x1, s6  }
0xa: {  	[smem:$0x7FF] =	sst s3;
	s7 =	sshll.u32 s2, $0x9;
	s8 =	sshll.u32 s6, $0x8  }
0xb: {  	s21 =	simm.s32 $0x0;
	_ =	strace $0x80000047;
	s7 =	sor.u32 s8, s7  }
0xc: {  	s6 =	ssub.s32 $0x2, s6;
	s8 =	sshll.u32 s7, $0x4;
	s7 =	sshrl.u32 s7, $0x3  }
0xd: {  	s31 =	sshrl.u32 s6, $0x1;
	s8 =	sadd.s32 s8, s5;
	s4 =	sadd.s32 s4, s7  }
0xe: {  	s9 =	ssub.s32 s6, s31;
	s5 =	sadd.s32 $0x400, s4;
	s6 =	sadd.s32 $0xA00, s8  }
0xf: {  	s7 =	sadd.s32 $0x1200, s8;
	s8 =	smax.u32 s9, $0x1;
	s9 =	simm.s32 $0x3  }
.LBB2_1:
0x10: {  	[tilespmem:s3], [sflag:$0x3] =	stream.linear.gather [hbm4b:s4+s3], $0x100, $0x38;
	[tilespmem:$0x18200] =	vst v63  }
0x11: {  	_ =	swait.ge [sflag:s9], $0x100  }
0x12: {  	[sflag:s9] =	ssyncset.done $0x0  }
0x13: {  	[sflag:s9] =	ssyncadd.s32 $0xFFFFFF00  }
0x14: {  	[tilespmem:s10], [sflag:$0x3] =	stream.linear.gather [hbm4b:s5+s3], $0x100, $0x38;
	[tilespmem:$0x18200] =	vst v63  }
0x15: {  	_ =	swait.ge [sflag:s9], $0x100  }
0x16: {  	[sflag:s9] =	ssyncset.done $0x0  }
0x17: {  	[sflag:s9] =	ssyncadd.s32 $0xFFFFFF00  }
0x18: {  	[tilespmem:s12], [sflag:$0x1] =	stream.indirect.gather [hbm4b:s1+s11], $0x80, s3, s11, $0xb8;
	[tilespmem:$0x18200] =	vst v63  }
0x19: {  	_ = 	snop  }
0x1a: {  	[tilespmem:s13], [sflag:$0x1] =	stream.indirect.gather [hbm4b:s1+s11], $0x80, s10, s11, $0xb8;
	[tilespmem:$0x18200] =	vst v63  }
0x1b: {  	_ = 	snop  }
0x1c: {  	[tilespmem:s14], [sflag:$0x1] =	stream.indirect.gather [hbm4b:s1+s11], $0x80, s11, s11, $0xb8;
	[tilespmem:$0x18200] =	vst v63  }
0x1d: {  	_ = 	snop  }
0x1e: {  	[tilespmem:s16], [sflag:$0x1] =	stream.indirect.gather [hbm4b:s1+s11], $0x80, s15, s11, $0xb8;
	[tilespmem:$0x18200] =	vst v63  }
0x1f: {  	_ =	swait.ge [sflag:s17], $0x4000  }
0x20: {  	[sflag:s17] =	ssyncset.done $0x0  }
0x21: {  	[sflag:s17] =	ssyncadd.s32 $0xFFFFC000  }
0x22: {  	_ =	swait.ge [sflag:s17], $0x4000  }
0x23: {  	[sflag:s17] =	ssyncset.done $0x0  }
0x24: {  	s22 =	simm.s32 $0x0;
	[sflag:s17] =	ssyncadd.s32 $0xFFFFC000  }
0x25: {  	v0 =	vld [tilespmem:s22+$0x270]  }
0x26: {  	v1 =	vld [tilespmem:s22+$0x8240]  }
0x27: {  	v2 =	vld [tilespmem:s22+$0x8260]  }
0x28: {  	v3 =	vld [tilespmem:s22+$0x8270]  }
0x29: {  	v4 =	vld [tilespmem:s22+$0x8200]  }
0x2a: {  	v5 =	vld [tilespmem:s22+$0x240]  }
0x2b: {  	v6 =	vld [tilespmem:s22+$0x8230]  }
0x2c: {  	v7 =	vld [tilespmem:s22+$0x210]  }
0x2d: {  	v8 =	vld [tilespmem:s22+$0x220]  }
0x2e: {  	v11 =	vld [tilespmem:s22+$0x8220]  }
0x2f: {  	s23 =	simm.s32 $0x80;
	v15 =	vld [tilespmem:s22+$0x8250]  }
0x30: {  	v19 =	vld [tilespmem:s23+$0x8240];
	v0 =	vmul.f32 $1.043037790e+04, v0;
	v2 =	vmul.f32 $1.043037790e+04, v2  }
0x31: {  	v13 =	vld [tilespmem:s22+$0x230];
	v1 =	vmul.f32 $1.043037790e+04, v1;
	v3 =	vmul.f32 $1.043037790e+04, v3  }
0x32: {  	v5 =	vmul.f32 $1.043037790e+04, v5;
	v7 =	vmul.f32 $1.043037790e+04, v7  }
0x33: {  	v6 =	vmul.f32 $1.043037790e+04, v6;
	v8 =	vmul.f32 $1.043037790e+04, v8  }
0x34: {  	v4 =	vmul.f32 $1.043037790e+04, v4;
	v11 =	vmul.f32 $1.043037790e+04, v11  }
0x35: {  	v19 =	vmul.f32 $1.043037790e+04, v19;
	v15 =	vmul.f32 $1.043037790e+04, v15  }
0x36: {  	v28 =	vmul.f32 $1.043037790e+04, v13;
	v0 =	vtrunc.f32 v0  }
0x37: {  	v3 =	vtrunc.f32 v3;
	v1 =	vtrunc.f32 v1  }
0x38: {  	v7 =	vtrunc.f32 v7;
	v8 =	vtrunc.f32 v8  }
0x39: {  	v9 =	vld [tilespmem:s22+$0x260];
	v6 =	vtrunc.f32 v6;
	v1 =	vcvt.f32.s32 v1  }
0x3a: {  	v10 =	vld [tilespmem:s22+$0x200];
	v7 =	vcvt.f32.s32 v7;
	v17 =	vcvt.f32.s32 v0  }
0x3b: {  	v14 =	vld [tilespmem:s22+$0x8210];
	v18 =	vcvt.f32.s32 v6;
	v6 =	vcvt.f32.s32 v8  }
0x3c: {  	v16 =	vld [tilespmem:s23+$0x270];
	v8 =	vtrunc.f32 v11;
	v0 =	vtrunc.f32 v2  }
0x3d: {  	v11 =	vld [tilespmem:s23+$0x8260];
	v2 =	vtrunc.f32 v5;
	v20 =	vcvt.f32.s32 v0  }
0x3e: {  	v5 =	vld [tilespmem:s23+$0x8270];
	v21 =	vcvt.f32.s32 v2;
	v23 =	vshll.u32 v1, $0x10;
	v1 =	vmul.f32 $1.043037790e+04, v9  }
0x3f: {  	v22 =	vld [tilespmem:s23+$0x8200];
	v9 =	vtrunc.f32 v4;
	v0 =	vand.u32 $0xFFFF, v7;
	v7 =	vcvt.f32.s32 v8  }
0x40: {  	v25 =	vld [tilespmem:s23+$0x8230];
	v8 =	vmul.f32 $1.043037790e+04, v10;
	v9 =	vcvt.f32.s32 v9  }
0x41: {  	v10 =	vld [tilespmem:s23+$0x240];
	v29 =	vshll.u32 v20, $0x10;
	v24 =	vtrunc.f32 v1;
	v1 =	vmul.f32 $1.043037790e+04, v16  }
0x42: {  	v26 =	vld [tilespmem:s23+$0x8220];
	v16 =	vand.u32 $0xFFFF, v6;
	v6 =	vmul.f32 $1.043037790e+04, v11;
	v11 =	vcvt.f32.s32 v3  }
0x43: {  	v2 =	vld [tilespmem:s23+$0x260];
	v3 =	vshll.u32 v7, $0x10;
	v7 =	vtrunc.f32 v8;
	v5 =	vmul.f32 $1.043037790e+04, v5  }
0x44: {  	v4 =	vld [tilespmem:s23+$0x200];
	v20 =	vshll.u32 v9, $0x10;
	v9 =	vtrunc.f32 v15;
	v8 =	vor.u32 v16, v3  }
0x45: {  	v17 =	vand.u32 $0xFFFF, v17;
	v27 =	vtrunc.f32 v1;
	v1 =	vld [tilespmem:s23+$0x250];
	v13 =	vcvt.f32.s32 v7;
	[tilespmem:s22+$0x10220] =	vst v8  }
0x46: {  	v9 =	vcvt.f32.s32 v9;
	v8 =	vshll.u32 v11, $0x10;
	v10 =	vmul.f32 $1.043037790e+04, v10;
	v11 =	vld [tilespmem:s23+$0x210]  }
0x47: {  	v7 =	vtrunc.f32 v5;
	v5 =	vcvt.f32.s32 v24;
	v16 =	vld [tilespmem:s23+$0x220];
	v8 =	vor.u32 v17, v8  }
0x48: {  	v12 =	vld [tilespmem:s22+$0x250];
	v17 =	vtrunc.f32 v19;
	v62 =	vand.u32 $0xFFFF, v13;
	v13 =	vmul.f32 $1.043037790e+04, v14  }
0x49: {  	v19 =	vmul.f32 $1.043037790e+04, v25;
	v14 =	vmul.f32 $1.043037790e+04, v22  }
0x4a: {  	v3 =	vshll.u32 v18, $0x10;
	v22 =	vtrunc.f32 v28;
	v18 =	vcvt.f32.s32 v17  }
0x4b: {  	v15 =	vand.u32 $0xFFFF, v21;
	v13 =	vtrunc.f32 v13;
	v21 =	vtrunc.f32 v19  }
0x4c: {  	v63 =	vand.u32 $0xFFFF, v5;
	v11 =	vmul.f32 $1.043037790e+04, v11;
	v5 =	vmul.f32 $1.043037790e+04, v16  }
0x4d: {  	v23 =	vor.u32 v15, v23;
	v19 =	vcvt.f32.s32 v27;
	v16 =	vmul.f32 $1.043037790e+04, v12  }
0x4e: {  	v15 =	vshll.u32 v9, $0x10;
	[tilespmem:s22+$0x10270] =	vst v8;
	v11 =	vtrunc.f32 v11;
	v17 =	vtrunc.f32 v5  }
0x4f: {  	v9 =	vld [tilespmem:s23+$0x230];
	v5 =	vshll.u32 v18, $0x10;
	v18 =	vtrunc.f32 v16;
	v12 =	vcvt.f32.s32 v11  }
0x50: {  	s24 =	simm.s32 $0x400;
	v8 =	vld [tilespmem:s23+$0x8210];
	[tilespmem:s22+$0x10240] =	vst v23;
	v16 =	vor.u32 v62, v20;
	v20 =	vmul.f32 $1.043037790e+04, v26;
	v11 =	vor.u32 v63, v29  }
.LBB2_2:
0x51: {  	s25 =	sshra.s32 s24, $0x2;
	p0 =	sne.s32 s24, $0xFE00;
	s24 =	sadd.s32 $0x200, s24;
	v12 =	vand.u32 $0xFFFF, v12;
	v21 =	vcvt.f32.s32 v21;
	v23 =	vld [tilespmem:s23+$0x8250];
	[tilespmem:s22+$0x10200] =	vst v16;
	v16 =	vcvt.f32.s32 v22  }
0x52: {  	v17 =	vcvt.f32.s32 v17;
	v19 =	vand.u32 $0xFFFF, v19;
	v18 =	vcvt.f32.s32 v18;
	v22 =	vld [tilespmem:s25+$0x270]  }
0x53: {  	v6 =	vtrunc.f32 v6;
	v20 =	vtrunc.f32 v20;
	v24 =	vld [tilespmem:s25+$0x8240];
	v21 =	vshll.u32 v21, $0x10  }
0x54: {  	v10 =	vtrunc.f32 v10;
	v26 =	vcvt.f32.s32 v6;
	v17 =	vand.u32 $0xFFFF, v17;
	v25 =	vld [tilespmem:s25+$0x8260]  }
0x55: {  	v28 =	vcvt.f32.s32 v10;
	v6 =	vmul.f32 $1.043037790e+04, v2;
	v10 =	vand.u32 $0xFFFF, v16;
	v27 =	vld [tilespmem:s25+$0x8270]  }
0x56: {  	v14 =	vtrunc.f32 v14;
	v20 =	vcvt.f32.s32 v20;
	v18 =	vand.u32 $0xFFFF, v18;
	v16 =	vld [tilespmem:s25+$0x8200]  }
0x57: {  	v29 =	vmul.f32 $1.043037790e+04, v4;
	v30 =	vtrunc.f32 v6;
	v15 =	vor.u32 v18, v15;
	v2 =	vld [tilespmem:s25+$0x260]  }
0x58: {  	v13 =	vcvt.f32.s32 v13;
	v10 =	vor.u32 v10, v3;
	v3 =	vmovc v21;
	v22 =	vmul.f32 $1.043037790e+04, v22;
	v18 =	vld [tilespmem:s25+$0x240]  }
0x59: {  	v7 =	vcvt.f32.s32 v7;
	v20 =	vshll.u32 v20, $0x10;
	v4 =	vld [tilespmem:s25+$0x200];
	v6 =	vmul.f32 $1.043037790e+04, v25;
	[tilespmem:s22+$0x10250] =	vst v15  }
0x5a: {  	v13 =	vshll.u32 v13, $0x10;
	v23 =	vmul.f32 $1.043037790e+04, v23;
	v21 =	vmul.f32 $1.043037790e+04, v24;
	v15 =	vld [tilespmem:s25+$0x8230];
	[tilespmem:s22+$0x10230] =	vst v10  }
0x5b: {  	v22 =	vtrunc.f32 v22;
	v25 =	vtrunc.f32 v29;
	v10 =	vor.u32 v17, v20;
	v24 =	vld [tilespmem:s25+$0x8220];
	[tilespmem:s22+$0x10260] =	vst v11  }
0x5c: {  	v17 =	vmul.f32 $1.043037790e+04, v27;
	v27 =	vmul.f32 $1.043037790e+04, v9;
	v9 =	vshll.u32 v7, $0x10;
	v11 =	vld [tilespmem:s25+$0x250];
	[tilespmem:s23+$0x10220] =	vst v10  }
0x5d: {  	v13 =	vor.u32 v0, v13;
	v0 =	vmovc v12;
	v20 =	vld [tilespmem:s25+$0x210];
	v10 =	vmul.f32 $1.043037790e+04, v18;
	v18 =	vcvt.f32.s32 v25  }
0x5e: {  	v9 =	vor.u32 v19, v9;
	v7 =	vtrunc.f32 v17;
	v17 =	vcvt.f32.s32 v30;
	v12 =	vld [tilespmem:s25+$0x220];
	[tilespmem:s22+$0x10210] =	vst v13;
	s22 =	smov.u32 s23;
	s23 =	smov.u32 s25  }
0x5f: {  	v14 =	vcvt.f32.s32 v14;
	v13 =	vtrunc.f32 v21;
	v25 =	vand.u32 $0xFFFF, v18;
	[tilespmem:s22+$0x10270] =	vst v9  }
0x60: {  	v26 =	vshll.u32 v26, $0x10;
	v8 =	vmul.f32 $1.043037790e+04, v8;
	v18 =	vcvt.f32.s32 v13  }
0x61: {  	v29 =	vshll.u32 v14, $0x10;
	v19 =	vmul.f32 $1.043037790e+04, v15;
	v9 =	vtrunc.f32 v23  }
0x62: {  	v23 =	vand.u32 $0xFFFF, v17;
	v15 =	vcvt.f32.s32 v9;
	v13 =	vmul.f32 $1.043037790e+04, v20  }
0x63: {  	v17 =	vand.u32 $0xFFFF, v28;
	v20 =	vmul.f32 $1.043037790e+04, v1;
	v1 =	vmovc v11;
	v12 =	vmul.f32 $1.043037790e+04, v12;
	v9 =	vld [tilespmem:s23+$0x230]  }
.Ltmp0:
0x64: {  	v14 =	vmul.f32 $1.043037790e+04, v16;
	v28 =	vor.u32 v17, v5;
	v11 =	vtrunc.f32 v13;
	(pc) =	sbr.rel @p0 .LBB2_2-.Ltmp0, $4  }
0x65: {  	v15 =	vshll.u32 v15, $0x10;
	v13 =	vtrunc.f32 v8;
	v17 =	vtrunc.f32 v12  }
0x66: {  	v5 =	vshll.u32 v18, $0x10;
	v18 =	vtrunc.f32 v20;
	v12 =	vcvt.f32.s32 v11  }
0x67: {  	v16 =	vor.u32 v25, v29;
	v21 =	vtrunc.f32 v19;
	v19 =	vcvt.f32.s32 v22  }
0x68: {  	v22 =	vtrunc.f32 v27;
	v20 =	vmul.f32 $1.043037790e+04, v24;
	v11 =	vor.u32 v23, v26;
	v8 =	vld [tilespmem:s23+$0x8210];
	[tilespmem:s22+$0x10240] =	vst v28  }
0x69: {  	v21 =	vcvt.f32.s32 v21;
	v22 =	vcvt.f32.s32 v22  }
0x6a: {  	v17 =	vcvt.f32.s32 v17;
	v18 =	vcvt.f32.s32 v18  }
0x6b: {  	v6 =	vtrunc.f32 v6;
	v10 =	vtrunc.f32 v10  }
0x6c: {  	v2 =	vmul.f32 $1.043037790e+04, v2;
	v14 =	vtrunc.f32 v14  }
0x6d: {  	v4 =	vmul.f32 $1.043037790e+04, v4;
	v13 =	vcvt.f32.s32 v13  }
0x6e: {  	v7 =	vcvt.f32.s32 v7;
	v9 =	vmul.f32 $1.043037790e+04, v9  }
0x6f: {  	v19 =	vand.u32 $0xFFFF, v19;
	v1 =	vmul.f32 $1.043037790e+04, v1;
	v20 =	vtrunc.f32 v20  }
0x70: {  	v6 =	vcvt.f32.s32 v6;
	v10 =	vcvt.f32.s32 v10;
	v17 =	vand.u32 $0xFFFF, v17  }
0x71: {  	v22 =	vand.u32 $0xFFFF, v22;
	v20 =	vcvt.f32.s32 v20;
	v18 =	vand.u32 $0xFFFF, v18  }
0x72: {  	v23 =	vld [tilespmem:s23+$0x8250];
	v2 =	vtrunc.f32 v2;
	v13 =	vshll.u32 v13, $0x10;
	v4 =	vtrunc.f32 v4  }
0x73: {  	[tilespmem:s22+$0x10200] =	vst v16;
	v7 =	vshll.u32 v7, $0x10;
	v1 =	vtrunc.f32 v1;
	v9 =	vtrunc.f32 v9  }
0x74: {  	[tilespmem:s22+$0x10260] =	vst v11;
	v15 =	vor.u32 v18, v15;
	v3 =	vor.u32 v22, v3;
	v4 =	vcvt.f32.s32 v4  }
0x75: {  	v2 =	vcvt.f32.s32 v2;
	v1 =	vcvt.f32.s32 v1;
	v18 =	vshll.u32 v20, $0x10;
	[tilespmem:s22+$0x10250] =	vst v15  }
0x76: {  	[tilespmem:s22+$0x10230] =	vst v3;
	v3 =	vor.u32 v19, v7;
	v7 =	vcvt.f32.s32 v14;
	v16 =	vor.u32 v17, v18  }
0x77: {  	v0 =	vor.u32 v0, v13;
	v8 =	vmul.f32 $1.043037790e+04, v8;
	v20 =	vmul.f32 $1.043037790e+04, v23;
	[tilespmem:s23+$0x10220] =	vst v16  }
0x78: {  	v4 =	vand.u32 $0xFFFF, v4;
	v2 =	vand.u32 $0xFFFF, v2;
	v7 =	vshll.u32 v7, $0x10;
	[tilespmem:s22+$0x10210] =	vst v0  }
0x79: {  	v11 =	vtrunc.f32 v20;
	v0 =	vand.u32 $0xFFFF, v10;
	v4 =	vor.u32 v4, v7;
	[tilespmem:s23+$0x10270] =	vst v3  }
0x7a: {  	v11 =	vcvt.f32.s32 v11;
	v0 =	vor.u32 v0, v5;
	v3 =	vtrunc.f32 v8;
	[tilespmem:s23+$0x10200] =	vst v4  }
0x7b: {  	v5 =	vcvt.f32.s32 v9;
	v4 =	vshll.u32 v6, $0x10;
	[tilespmem:s23+$0x10240] =	vst v0;
	v0 =	vand.u32 $0xFFFF, v1  }
0x7c: {  	v3 =	vcvt.f32.s32 v3;
	v2 =	vor.u32 v2, v4;
	v8 =	vshll.u32 v11, $0x10  }
0x7d: {  	v21 =	vshll.u32 v21, $0x10;
	v1 =	vand.u32 $0xFFFF, v5;
	[tilespmem:s23+$0x10260] =	vst v2;
	v0 =	vor.u32 v0, v8  }
0x7e: {  	v1 =	vor.u32 v1, v21;
	v3 =	vshll.u32 v3, $0x10;
	[tilespmem:s23+$0x10250] =	vst v0;
	v0 =	vand.u32 $0xFFFF, v12  }
0x7f: {  	[tilespmem:s23+$0x10230] =	vst v1;
	v0 =	vor.u32 v0, v3  }
0x80: {  	s31 =	simm.s32 $0x0;
	[tilespmem:s23+$0x10210] =	vst v0  }
0x81: {  	[hbm4b:s6+s31] =	stream.linear.scatter [tilespmem:s18], [sflag:$0x2], $0x4000, $0x38;
	[tilespmem:$0x18200] =	vst v63  }
0x82: {  	_ =	swait.ge [sflag:s17], $0x4000  }
0x83: {  	[sflag:s17] =	ssyncset.done $0x0  }
0x84: {  	[sflag:s17] =	ssyncadd.s32 $0xFFFFC000  }
0x85: {  	_ =	swait.ge [sflag:s17], $0x4000  }
0x86: {  	[sflag:s17] =	ssyncset.done $0x0  }
0x87: {  	s22 =	simm.s32 $0x0;
	[sflag:s17] =	ssyncadd.s32 $0xFFFFC000  }
0x88: {  	v0 =	vld [tilespmem:s22+$0x4270]  }
0x89: {  	v1 =	vld [tilespmem:s22+$0xC240]  }
0x8a: {  	v2 =	vld [tilespmem:s22+$0xC260]  }
0x8b: {  	v3 =	vld [tilespmem:s22+$0xC270]  }
0x8c: {  	v4 =	vld [tilespmem:s22+$0xC200]  }
0x8d: {  	v5 =	vld [tilespmem:s22+$0x4240]  }
0x8e: {  	v6 =	vld [tilespmem:s22+$0xC230]  }
0x8f: {  	v7 =	vld [tilespmem:s22+$0x4210]  }
0x90: {  	v8 =	vld [tilespmem:s22+$0x4220]  }
0x91: {  	v11 =	vld [tilespmem:s22+$0xC220]  }
0x92: {  	s23 =	simm.s32 $0x80;
	v15 =	vld [tilespmem:s22+$0xC250]  }
0x93: {  	v19 =	vld [tilespmem:s23+$0xC240];
	v0 =	vmul.f32 $1.043037790e+04, v0;
	v2 =	vmul.f32 $1.043037790e+04, v2  }
0x94: {  	v13 =	vld [tilespmem:s22+$0x4230];
	v1 =	vmul.f32 $1.043037790e+04, v1;
	v3 =	vmul.f32 $1.043037790e+04, v3  }
0x95: {  	v5 =	vmul.f32 $1.043037790e+04, v5;
	v7 =	vmul.f32 $1.043037790e+04, v7  }
0x96: {  	v6 =	vmul.f32 $1.043037790e+04, v6;
	v8 =	vmul.f32 $1.043037790e+04, v8  }
0x97: {  	v4 =	vmul.f32 $1.043037790e+04, v4;
	v11 =	vmul.f32 $1.043037790e+04, v11  }
0x98: {  	v19 =	vmul.f32 $1.043037790e+04, v19;
	v15 =	vmul.f32 $1.043037790e+04, v15  }
0x99: {  	v28 =	vmul.f32 $1.043037790e+04, v13;
	v0 =	vtrunc.f32 v0  }
0x9a: {  	v3 =	vtrunc.f32 v3;
	v1 =	vtrunc.f32 v1  }
0x9b: {  	v7 =	vtrunc.f32 v7;
	v8 =	vtrunc.f32 v8  }
0x9c: {  	v9 =	vld [tilespmem:s22+$0x4260];
	v6 =	vtrunc.f32 v6;
	v1 =	vcvt.f32.s32 v1  }
0x9d: {  	v10 =	vld [tilespmem:s22+$0x4200];
	v7 =	vcvt.f32.s32 v7;
	v17 =	vcvt.f32.s32 v0  }
0x9e: {  	v14 =	vld [tilespmem:s22+$0xC210];
	v18 =	vcvt.f32.s32 v6;
	v6 =	vcvt.f32.s32 v8  }
0x9f: {  	v16 =	vld [tilespmem:s23+$0x4270];
	v8 =	vtrunc.f32 v11;
	v0 =	vtrunc.f32 v2  }
0xa0: {  	v11 =	vld [tilespmem:s23+$0xC260];
	v2 =	vtrunc.f32 v5;
	v20 =	vcvt.f32.s32 v0  }
0xa1: {  	v5 =	vld [tilespmem:s23+$0xC270];
	v21 =	vcvt.f32.s32 v2;
	v23 =	vshll.u32 v1, $0x10;
	v1 =	vmul.f32 $1.043037790e+04, v9  }
0xa2: {  	v22 =	vld [tilespmem:s23+$0xC200];
	v9 =	vtrunc.f32 v4;
	v0 =	vand.u32 $0xFFFF, v7;
	v7 =	vcvt.f32.s32 v8  }
0xa3: {  	v25 =	vld [tilespmem:s23+$0xC230];
	v8 =	vmul.f32 $1.043037790e+04, v10;
	v9 =	vcvt.f32.s32 v9  }
0xa4: {  	v10 =	vld [tilespmem:s23+$0x4240];
	v29 =	vshll.u32 v20, $0x10;
	v24 =	vtrunc.f32 v1;
	v1 =	vmul.f32 $1.043037790e+04, v16  }
0xa5: {  	v26 =	vld [tilespmem:s23+$0xC220];
	v16 =	vand.u32 $0xFFFF, v6;
	v6 =	vmul.f32 $1.043037790e+04, v11;
	v11 =	vcvt.f32.s32 v3  }
0xa6: {  	v2 =	vld [tilespmem:s23+$0x4260];
	v3 =	vshll.u32 v7, $0x10;
	v7 =	vtrunc.f32 v8;
	v5 =	vmul.f32 $1.043037790e+04, v5  }
0xa7: {  	v4 =	vld [tilespmem:s23+$0x4200];
	v20 =	vshll.u32 v9, $0x10;
	v9 =	vtrunc.f32 v15;
	v8 =	vor.u32 v16, v3  }
0xa8: {  	v17 =	vand.u32 $0xFFFF, v17;
	v27 =	vtrunc.f32 v1;
	v1 =	vld [tilespmem:s23+$0x4250];
	v13 =	vcvt.f32.s32 v7;
	[tilespmem:s22+$0x14220] =	vst v8  }
0xa9: {  	v9 =	vcvt.f32.s32 v9;
	v8 =	vshll.u32 v11, $0x10;
	v10 =	vmul.f32 $1.043037790e+04, v10;
	v11 =	vld [tilespmem:s23+$0x4210]  }
0xaa: {  	v7 =	vtrunc.f32 v5;
	v5 =	vcvt.f32.s32 v24;
	v16 =	vld [tilespmem:s23+$0x4220];
	v8 =	vor.u32 v17, v8  }
0xab: {  	v12 =	vld [tilespmem:s22+$0x4250];
	v17 =	vtrunc.f32 v19;
	v62 =	vand.u32 $0xFFFF, v13;
	v13 =	vmul.f32 $1.043037790e+04, v14  }
0xac: {  	v19 =	vmul.f32 $1.043037790e+04, v25;
	v14 =	vmul.f32 $1.043037790e+04, v22  }
0xad: {  	v3 =	vshll.u32 v18, $0x10;
	v22 =	vtrunc.f32 v28;
	v18 =	vcvt.f32.s32 v17  }
0xae: {  	v15 =	vand.u32 $0xFFFF, v21;
	v13 =	vtrunc.f32 v13;
	v21 =	vtrunc.f32 v19  }
0xaf: {  	v63 =	vand.u32 $0xFFFF, v5;
	v11 =	vmul.f32 $1.043037790e+04, v11;
	v5 =	vmul.f32 $1.043037790e+04, v16  }
0xb0: {  	v23 =	vor.u32 v15, v23;
	v19 =	vcvt.f32.s32 v27;
	v16 =	vmul.f32 $1.043037790e+04, v12  }
0xb1: {  	v15 =	vshll.u32 v9, $0x10;
	[tilespmem:s22+$0x14270] =	vst v8;
	v11 =	vtrunc.f32 v11;
	v17 =	vtrunc.f32 v5  }
0xb2: {  	v9 =	vld [tilespmem:s23+$0x4230];
	v5 =	vshll.u32 v18, $0x10;
	v18 =	vtrunc.f32 v16;
	v12 =	vcvt.f32.s32 v11  }
0xb3: {  	s24 =	simm.s32 $0x400;
	v8 =	vld [tilespmem:s23+$0xC210];
	[tilespmem:s22+$0x14240] =	vst v23;
	v16 =	vor.u32 v62, v20;
	v20 =	vmul.f32 $1.043037790e+04, v26;
	v11 =	vor.u32 v63, v29  }
.LBB2_4:
0xb4: {  	s25 =	sshra.s32 s24, $0x2;
	p0 =	sne.s32 s24, $0xFE00;
	s24 =	sadd.s32 $0x200, s24;
	v12 =	vand.u32 $0xFFFF, v12;
	v21 =	vcvt.f32.s32 v21;
	v23 =	vld [tilespmem:s23+$0xC250];
	[tilespmem:s22+$0x14200] =	vst v16;
	v16 =	vcvt.f32.s32 v22  }
0xb5: {  	v17 =	vcvt.f32.s32 v17;
	v19 =	vand.u32 $0xFFFF, v19;
	v18 =	vcvt.f32.s32 v18;
	v22 =	vld [tilespmem:s25+$0x4270]  }
0xb6: {  	v6 =	vtrunc.f32 v6;
	v20 =	vtrunc.f32 v20;
	v24 =	vld [tilespmem:s25+$0xC240];
	v21 =	vshll.u32 v21, $0x10  }
0xb7: {  	v10 =	vtrunc.f32 v10;
	v26 =	vcvt.f32.s32 v6;
	v17 =	vand.u32 $0xFFFF, v17;
	v25 =	vld [tilespmem:s25+$0xC260]  }
0xb8: {  	v28 =	vcvt.f32.s32 v10;
	v6 =	vmul.f32 $1.043037790e+04, v2;
	v10 =	vand.u32 $0xFFFF, v16;
	v27 =	vld [tilespmem:s25+$0xC270]  }
0xb9: {  	v14 =	vtrunc.f32 v14;
	v20 =	vcvt.f32.s32 v20;
	v18 =	vand.u32 $0xFFFF, v18;
	v16 =	vld [tilespmem:s25+$0xC200]  }
0xba: {  	v29 =	vmul.f32 $1.043037790e+04, v4;
	v30 =	vtrunc.f32 v6;
	v15 =	vor.u32 v18, v15;
	v2 =	vld [tilespmem:s25+$0x4260]  }
0xbb: {  	v13 =	vcvt.f32.s32 v13;
	v10 =	vor.u32 v10, v3;
	v3 =	vmovc v21;
	v22 =	vmul.f32 $1.043037790e+04, v22;
	v18 =	vld [tilespmem:s25+$0x4240]  }
0xbc: {  	v7 =	vcvt.f32.s32 v7;
	v20 =	vshll.u32 v20, $0x10;
	v4 =	vld [tilespmem:s25+$0x4200];
	v6 =	vmul.f32 $1.043037790e+04, v25;
	[tilespmem:s22+$0x14250] =	vst v15  }
0xbd: {  	v13 =	vshll.u32 v13, $0x10;
	v23 =	vmul.f32 $1.043037790e+04, v23;
	v21 =	vmul.f32 $1.043037790e+04, v24;
	v15 =	vld [tilespmem:s25+$0xC230];
	[tilespmem:s22+$0x14230] =	vst v10  }
0xbe: {  	v22 =	vtrunc.f32 v22;
	v25 =	vtrunc.f32 v29;
	v10 =	vor.u32 v17, v20;
	v24 =	vld [tilespmem:s25+$0xC220];
	[tilespmem:s22+$0x14260] =	vst v11  }
0xbf: {  	v17 =	vmul.f32 $1.043037790e+04, v27;
	v27 =	vmul.f32 $1.043037790e+04, v9;
	v9 =	vshll.u32 v7, $0x10;
	v11 =	vld [tilespmem:s25+$0x4250];
	[tilespmem:s23+$0x14220] =	vst v10  }
0xc0: {  	v13 =	vor.u32 v0, v13;
	v0 =	vmovc v12;
	v20 =	vld [tilespmem:s25+$0x4210];
	v10 =	vmul.f32 $1.043037790e+04, v18;
	v18 =	vcvt.f32.s32 v25  }
0xc1: {  	v9 =	vor.u32 v19, v9;
	v7 =	vtrunc.f32 v17;
	v17 =	vcvt.f32.s32 v30;
	v12 =	vld [tilespmem:s25+$0x4220];
	[tilespmem:s22+$0x14210] =	vst v13;
	s22 =	smov.u32 s23;
	s23 =	smov.u32 s25  }
0xc2: {  	v14 =	vcvt.f32.s32 v14;
	v13 =	vtrunc.f32 v21;
	v25 =	vand.u32 $0xFFFF, v18;
	[tilespmem:s22+$0x14270] =	vst v9  }
0xc3: {  	v26 =	vshll.u32 v26, $0x10;
	v8 =	vmul.f32 $1.043037790e+04, v8;
	v18 =	vcvt.f32.s32 v13  }
0xc4: {  	v29 =	vshll.u32 v14, $0x10;
	v19 =	vmul.f32 $1.043037790e+04, v15;
	v9 =	vtrunc.f32 v23  }
0xc5: {  	v23 =	vand.u32 $0xFFFF, v17;
	v15 =	vcvt.f32.s32 v9;
	v13 =	vmul.f32 $1.043037790e+04, v20  }
0xc6: {  	v17 =	vand.u32 $0xFFFF, v28;
	v20 =	vmul.f32 $1.043037790e+04, v1;
	v1 =	vmovc v11;
	v12 =	vmul.f32 $1.043037790e+04, v12;
	v9 =	vld [tilespmem:s23+$0x4230]  }
.Ltmp1:
0xc7: {  	v14 =	vmul.f32 $1.043037790e+04, v16;
	v28 =	vor.u32 v17, v5;
	v11 =	vtrunc.f32 v13;
	(pc) =	sbr.rel @p0 .LBB2_4-.Ltmp1, $4  }
0xc8: {  	v15 =	vshll.u32 v15, $0x10;
	v13 =	vtrunc.f32 v8;
	v17 =	vtrunc.f32 v12  }
0xc9: {  	v5 =	vshll.u32 v18, $0x10;
	v18 =	vtrunc.f32 v20;
	v12 =	vcvt.f32.s32 v11  }
0xca: {  	v16 =	vor.u32 v25, v29;
	v21 =	vtrunc.f32 v19;
	v19 =	vcvt.f32.s32 v22  }
0xcb: {  	v22 =	vtrunc.f32 v27;
	v20 =	vmul.f32 $1.043037790e+04, v24;
	v11 =	vor.u32 v23, v26;
	v8 =	vld [tilespmem:s23+$0xC210];
	[tilespmem:s22+$0x14240] =	vst v28  }
0xcc: {  	v21 =	vcvt.f32.s32 v21  }
0xcd: {  	v22 =	vcvt.f32.s32 v22;
	v17 =	vcvt.f32.s32 v17  }
0xce: {  	v18 =	vcvt.f32.s32 v18;
	v6 =	vtrunc.f32 v6  }
0xcf: {  	v10 =	vtrunc.f32 v10;
	v2 =	vmul.f32 $1.043037790e+04, v2  }
0xd0: {  	v14 =	vtrunc.f32 v14;
	v4 =	vmul.f32 $1.043037790e+04, v4  }
0xd1: {  	v13 =	vcvt.f32.s32 v13;
	v7 =	vcvt.f32.s32 v7  }
0xd2: {  	v9 =	vmul.f32 $1.043037790e+04, v9;
	v1 =	vmul.f32 $1.043037790e+04, v1  }
0xd3: {  	v19 =	vand.u32 $0xFFFF, v19;
	v20 =	vtrunc.f32 v20;
	v6 =	vcvt.f32.s32 v6  }
0xd4: {  	v10 =	vcvt.f32.s32 v10;
	v54 =	vcvt.f32.s32 v14;
	v21 =	vshll.u32 v21, $0x10  }
0xd5: {  	v17 =	vand.u32 $0xFFFF, v17;
	v22 =	vand.u32 $0xFFFF, v22;
	v20 =	vcvt.f32.s32 v20  }
0xd6: {  	v18 =	vand.u32 $0xFFFF, v18;
	v2 =	vtrunc.f32 v2;
	v13 =	vshll.u32 v13, $0x10  }
0xd7: {  	v23 =	vld [tilespmem:s23+$0xC250];
	v4 =	vtrunc.f32 v4;
	v7 =	vshll.u32 v7, $0x10;
	v1 =	vtrunc.f32 v1  }
0xd8: {  	[tilespmem:s22+$0x14200] =	vst v16;
	v9 =	vtrunc.f32 v9;
	v15 =	vor.u32 v18, v15;
	v3 =	vor.u32 v22, v3  }
0xd9: {  	[tilespmem:s22+$0x14260] =	vst v11;
	v4 =	vcvt.f32.s32 v4;
	v0 =	vor.u32 v0, v13;
	v2 =	vcvt.f32.s32 v2  }
0xda: {  	v53 =	vor.u32 v19, v7;
	v7 =	vshll.u32 v54, $0x10;
	v50 =	vshll.u32 v20, $0x10;
	[tilespmem:s22+$0x14250] =	vst v15  }
0xdb: {  	v56 =	vand.u32 $0xFFFF, v10;
	v1 =	vcvt.f32.s32 v1;
	[tilespmem:s22+$0x14230] =	vst v3;
	v52 =	vor.u32 v17, v50  }
0xdc: {  	v58 =	vcvt.f32.s32 v9;
	v62 =	vshll.u32 v6, $0x10;
	v51 =	vmul.f32 $1.043037790e+04, v23;
	[tilespmem:s23+$0x14220] =	vst v52  }
0xdd: {  	v8 =	vmul.f32 $1.043037790e+04, v8;
	v4 =	vand.u32 $0xFFFF, v4;
	v60 =	vand.u32 $0xFFFF, v1;
	[tilespmem:s22+$0x14210] =	vst v0  }
0xde: {  	v61 =	vand.u32 $0xFFFF, v58;
	v55 =	vtrunc.f32 v51;
	v0 =	vor.u32 v56, v5;
	[tilespmem:s23+$0x14270] =	vst v53  }
0xdf: {  	v57 =	vtrunc.f32 v8;
	v4 =	vor.u32 v4, v7;
	v11 =	vcvt.f32.s32 v55;
	[tilespmem:s23+$0x14240] =	vst v0  }
0xe0: {  	v2 =	vand.u32 $0xFFFF, v2;
	v1 =	vor.u32 v61, v21;
	v3 =	vcvt.f32.s32 v57;
	[tilespmem:s23+$0x14200] =	vst v4  }
0xe1: {  	v2 =	vor.u32 v2, v62;
	[tilespmem:s23+$0x14230] =	vst v1;
	v59 =	vshll.u32 v11, $0x10  }
0xe2: {  	v63 =	vand.u32 $0xFFFF, v12;
	[tilespmem:s23+$0x14260] =	vst v2;
	v3 =	vshll.u32 v3, $0x10;
	v0 =	vor.u32 v60, v59  }
0xe3: {  	[tilespmem:s23+$0x14250] =	vst v0;
	v0 =	vor.u32 v63, v3  }
0xe4: {  	s21 =	sadd.s32 $0x1, s21;
	[tilespmem:s23+$0x14210] =	vst v0  }
0xe5: {  	[hbm4b:s7+s3] =	stream.linear.scatter [tilespmem:s19], [sflag:$0x2], $0x4000, $0x38;
	[tilespmem:$0x18200] =	vst v63  }
0xe6: {  	p0 =	sne.s32 s21, s8;
	_ =	swait.ge [sflag:s20], $0x4000  }
.Ltmp2:
0xe7: {  	[sflag:s20] =	ssyncset.done $0x0;
	(pc) =	sbr.rel @p0 .LBB2_1-.Ltmp2, $4  }
0xe8: {  	[sflag:s20] =	ssyncadd.s32 $0xFFFFC000  }
0xe9: {  	_ =	swait.ge [sflag:s20], $0x4000  }
0xea: {  	[sflag:s20] =	ssyncset.done $0x0  }
0xeb: {  	[sflag:s20] =	ssyncadd.s32 $0xFFFFC000  }
0xec: {  	_ =	sfence.sel $0x180000  }
0xed: {  	[bflag:$0x0] =	sbarrier.arrive $0xFFFF  }
0xee: {  	p0 =	sne.s32 s2, $0x0;
	_ =	strace $0x90000047  }
0xef: {  	s0 =	sadd.s32 @!p0 $0x100000, s0;
	[bflag:$0x2] =	sbarrier.arrive $0xFFFF  }
0xf0: {  	[sflag:s0] =	ssyncadd.tile.s32 @!p0 $0x1;
	_ =	shalt  }
.Lfunc_end2:
_tile_overlayer_lowered:
.L_overlay_start_2:
0xf1: {  	(tag) =	ssettag $0x2  }
0xf2: {  	s0 =	rddreg [dreg:$0x0];
	s2 =	stileid.u32  }
0xf3: {  	s1 =	rddreg [dreg:$0x1];
	p0 =	sne.s32 s2, $0x0  }
0xf4: {  	s3 =	rddreg [dreg:$0x2];
	[bflag:$0x3] =	sbarrier.arrive $0xFFFF;
	s2 =	simm.s32 @!p0 $0x1C03  }
0xf5: {  	[timem:s3], [sflag:s2] =	dma.local @!p0 [hbm:s0], s1  }
0xf6: {  	s0 =	simm.s32 @!p0 $0x3  }
0xf7: {  	_ =	swait.ge @!p0 [sflag:s0], s1  }
0xf8: {  	s1 =	ssub.s32 @!p0 $0x0, s1;
	[sflag:s0] =	ssyncset.done @!p0 $0x0  }
0xf9: {  	[sflag:s0] =	ssyncadd.s32 @!p0 s1  }
0xfa: {  	[bflag:$0x3] =	sbarrier.arrive $0xFFFF  }
0xfb: {  	_ =	shalt  }

</sc_bundles>
